<compile_context>
chip_gen: v7x
topology: tpu7x:2x2x1
jax: 0.10.2.dev20260603
libtpu: 0.0.44.dev20260713+nightly
codegen_flags: <defaults>
</compile_context>

<pallas_src>
import functools
import math

import jax
import jax.numpy as jnp
import numpy as np
from jax import lax
from jax.experimental import pallas as pl
from jax.experimental.pallas import tpu as pltpu
from jax.experimental.pallas import tpu_sc as plsc

_H = 512
_W = 512
_NPIX = _H * _W
_NPL = 12
_NPOS = 300
_NNEG = 300
_NRING = _NPOS * _NNEG
_MARGIN = 0.5
_NCH = 32
_CH = _NPIX // _NCH
_NSUB = 16
_KPAD = 384




def _tf2x32_core(k1, k2, x0, x1):
    rot0 = (13, 15, 26, 6)
    rot1 = (17, 29, 16, 24)
    ks = [np.uint32(k1), np.uint32(k2),
          np.uint32(k1) ^ np.uint32(k2) ^ np.uint32(0x1BD11BDA)]
    x = [x0.astype(np.uint32) + ks[0], x1.astype(np.uint32) + ks[1]]

    def rnd(x, r):
        x0 = x[0] + x[1]
        x1 = (x[1] << np.uint32(r)) | (x[1] >> np.uint32(32 - r))
        return [x0, x0 ^ x1]

    for rots, a, b, i in ((rot0, 1, 2, 1), (rot1, 2, 0, 2), (rot0, 0, 1, 3),
                          (rot1, 1, 2, 4), (rot0, 2, 0, 5)):
        for r in rots:
            x = rnd(x, r)
        x = [x[0] + ks[a], x[1] + ks[b] + np.uint32(i)]
    return x[0], x[1]


def _np_split(key, num):
    cnt = np.arange(num, dtype=np.uint64)
    hi = (cnt >> np.uint64(32)).astype(np.uint32)
    lo = cnt.astype(np.uint32)
    b1, b2 = _tf2x32_core(key[0], key[1], hi, lo)
    return np.stack([b1, b2], axis=1)


def _np_random_bits(key, shape):
    n = int(np.prod(shape))
    cnt = np.arange(n, dtype=np.uint64)
    hi = (cnt >> np.uint64(32)).astype(np.uint32)
    lo = cnt.astype(np.uint32)
    b1, b2 = _tf2x32_core(key[0], key[1], hi, lo)
    return (b1 ^ b2).reshape(shape)


def _np_randint(key, shape, minval, maxval):
    k1, k2 = _np_split(key, 2)
    higher = _np_random_bits(k1, shape)
    lower = _np_random_bits(k2, shape)
    span = np.uint32(maxval - minval)
    mult = np.uint32(2 ** 16) % span
    mult = np.uint32(mult * mult) % span
    off = ((higher % span) * mult + lower % span) % span
    return (np.int32(minval) + off.astype(np.int32)).astype(np.int32)


def _np_uniform(key, shape):
    bits = _np_random_bits(key, shape)
    fb = (bits >> np.uint32(9)) | np.uint32(0x3F800000)
    return fb.view(np.float32) - np.float32(1.0)


def _ring_coords(key, feats, height):
    rep = np.tile(feats, (_NNEG, 1)).astype(np.float32)
    n = rep.shape[0]
    k1, k2 = _np_split(key, 2)
    radius = _np_uniform(k1, (1, n)) * np.float32(25.0) + np.float32(5.0)
    angle = _np_uniform(k2, (1, n)) * np.float32(2.0 * math.pi)
    x_off = radius * np.cos(angle, dtype=np.float32)
    y_off = radius * np.sin(angle, dtype=np.float32)
    nonmatch_x = rep[:, 0] + x_off
    nonmatch_y = rep[:, 1] + y_off
    nonmatch = np.stack([nonmatch_x, nonmatch_y], axis=1).squeeze()
    return np.clip(nonmatch, 0, height - 1).astype(np.int32).T


def _build_plan():
    fkey = np.array([0, 1234], dtype=np.uint32)
    k_a, k_p, k_r1, k_r2 = _np_split(fkey, 4)
    fa = _np_randint(k_a, (_NPOS, 2), 0, _H)
    fp = _np_randint(k_p, (_NPOS, 2), 0, _H)
    r1 = _ring_coords(k_r1, fa, _H)
    r2 = _ring_coords(k_r2, fp, _H)

    ia = (fa[:, 0] * _W + fa[:, 1]).astype(np.int64)
    ip = (fp[:, 0] * _W + fp[:, 1]).astype(np.int64)
    kk = np.arange(_NRING, dtype=np.int64) % _NPOS

    def buckets(ir):
        band = ir // _CH
        sizes = np.bincount(band, minlength=_NCH)
        order = np.argsort(sizes)
        q0s = order[:_NSUB].astype(np.int32)
        q1s = order[_NSUB:][::-1].astype(np.int32)
        lists = []
        for s in range(_NSUB):
            e0 = np.nonzero(band == q0s[s])[0]
            e1 = np.nonzero(band == q1s[s])[0]
            rel = np.concatenate([ir[e0] % _CH, _CH + ir[e1] % _CH])
            kkv = np.concatenate([kk[e0], kk[e1]])
            lists.append(((1 << 25) | (rel << 9) | kkv).astype(np.int64))
        return lists, q0s, q1s

    b1, q10, q11 = buckets(r1[:, 0].astype(np.int64) * _W + r1[:, 1])
    b2, q20, q21 = buckets(r2[:, 0].astype(np.int64) * _W + r2[:, 1])
    bl = max(max(len(x) for x in b1), max(len(x) for x in b2))
    bl = ((bl + 15) // 16) * 16
    pk = np.zeros((2, _NSUB, bl), dtype=np.int32)
    for s in range(_NSUB):
        pk[0, s, : len(b1[s])] = b1[s]
        pk[1, s, : len(b2[s])] = b2[s]
    chtab = np.concatenate([q10, q11, q20, q21]).astype(np.int32)

    def idx_table(base_idx):
        t = np.zeros((_NPL, _KPAD), dtype=np.int64)
        t[:, : _NPOS] = base_idx[None, :]
        t += (np.arange(_NPL, dtype=np.int64) * _NPIX)[:, None]
        return t

    gix = np.concatenate([idx_table(ip), idx_table(ia)], axis=0)
    gix = gix.reshape(2 * _NPL * 3, 128).astype(np.int32)
    lens = np.zeros((2 * _NSUB,), dtype=np.int32)
    for s in range(_NSUB):
        lens[s] = (len(b1[s]) + 15) // 16
        lens[_NSUB + s] = (len(b2[s]) + 15) // 16
    return pk.reshape(-1), gix, lens, chtab, bl


_PK_NP, _GIX_NP, _LENS_NP, _CHTAB_NP, _BL = _build_plan()


@functools.lru_cache(maxsize=1)
def _make_sc_kernel():
    mesh = plsc.VectorSubcoreMesh(core_axis_name="c", subcore_axis_name="s")
    f32 = jnp.float32
    i32 = jnp.int32

    @functools.partial(
        pl.kernel,
        mesh=mesh,
        compiler_params=pltpu.CompilerParams(needs_layout_passes=False),
        out_type=[
            jax.ShapeDtypeStruct((48,), f32),
        ],
        scratch_types=[
            pltpu.VMEM((2 * 2 * _CH,), f32),
            pltpu.VMEM((_BL,), i32),
            pltpu.VMEM((2 * _NPL * 3, 128), i32),
            pltpu.VMEM((2 * _NPL * _KPAD,), f32),
            pltpu.VMEM((128,), f32),
            pltpu.VMEM((2 * _NSUB,), i32),
            pltpu.VMEM((4 * _NSUB,), i32),
            pltpu.VMEM((16,), f32),
            pltpu.VMEM((16 * 16,), f32),
            pltpu.VMEM((16 * 16,), f32),
            pltpu.VMEM_SHARED((2 * _NPL * _KPAD,), f32),
            pltpu.VMEM_SHARED((16 * 16,), f32),
            pltpu.VMEM_SHARED((16 * 16,), f32),
            pltpu.SemaphoreType.DMA,
            pltpu.SemaphoreType.DMA,
        ],
    )
    def sc_main(i1f, i2f, pk, gix, lens, chtab, outd,
                chunkv, bucket, gixv, smalls, stage, lensv, chv, obuf,
                redd, reds, shared, sharedd, shareds, semc, semg):
        c = lax.axis_index("c")
        s = lax.axis_index("s")
        lane = lax.iota(i32, 16)
        nrows = 2 * _NPL * 3

        pltpu.sync_copy(pk.at[pl.ds((c * _NSUB + s) * _BL, _BL)], bucket)
        pltpu.sync_copy(gix, gixv)
        pltpu.sync_copy(lens, lensv)
        pltpu.sync_copy(chtab, chv)
        trip = jnp.sum(jnp.where(lane == s,
                                 lensv[pl.ds(c * _NSUB, _NSUB)], 0))
        ch0 = jnp.sum(jnp.where(lane == s,
                                chv[pl.ds(c * 2 * _NSUB, _NSUB)], 0))
        ch1 = jnp.sum(jnp.where(lane == s,
                                chv[pl.ds(c * 2 * _NSUB + _NSUB, _NSUB)], 0))

        for t in range((nrows + _NSUB - 1) // _NSUB):
            r = s + t * _NSUB

            @pl.when(jnp.logical_and(r < nrows, r < _NPL * 3))
            def _():
                pltpu.async_copy(i2f.at[gixv.at[r]], stage, semg).wait()
                pltpu.sync_copy(stage, shared.at[pl.ds(r * 128, 128)])

            @pl.when(jnp.logical_and(r < nrows, r >= _NPL * 3))
            def _():
                pltpu.async_copy(i1f.at[gixv.at[r]], stage, semg).wait()
                pltpu.sync_copy(stage, shared.at[pl.ds(r * 128, 128)])

        plsc.subcore_barrier()
        pltpu.sync_copy(shared, smalls)

        obuf[...] = jnp.zeros((16,), f32)

        @pl.when(jnp.logical_and(c == 0, s < _NPL))
        def _():
            acc = jnp.zeros((16,), f32)
            for i in range(_KPAD // 16):
                kl = lane + i * 16
                d = (smalls[pl.ds((_NPL + s) * _KPAD + i * 16, 16)]
                     - smalls[pl.ds(s * _KPAD + i * 16, 16)])
                acc = acc + jnp.where(kl < _NPOS, d * d, 0.0)
            obuf[...] = jnp.where(lane == s, jnp.sum(acc), 0.0)

        pltpu.sync_copy(obuf, shareds.at[pl.ds(s * 16, 16)])

        def run(myf):
            def issue(q, par):
                for t, cht in ((0, ch0), (1, ch1)):
                    pltpu.async_copy(
                        myf.at[pl.ds(q * _NPIX + cht * _CH, _CH)],
                        chunkv.at[pl.ds((par * 2 + t) * _CH, _CH)],
                        semc,
                    )

            def wait_plane(par):
                for t in range(2):
                    pltpu.make_async_copy(
                        myf.at[pl.ds(0, _CH)],
                        chunkv.at[pl.ds((par * 2 + t) * _CH, _CH)],
                        semc,
                    ).wait()

            issue(0, 0)

            def plane_body(p, outvec):
                par = p & 1
                wait_plane(par)

                @pl.when(p < _NPL - 1)
                def _():
                    issue(p + 1, 1 - par)

                coff = jnp.full((16,), par * 2 * _CH, i32)
                soff = jnp.full((16,), (c * _NPL + p) * _KPAD, i32)

                @plsc.parallel_loop(0, trip * 16, 16, unroll=4,
                                    carry=jnp.zeros((16,), f32))
                def acc(i, acc):
                    pkv = bucket[pl.ds(i, 16)]
                    validf = (pkv >> 25).astype(f32)
                    rel = ((pkv >> 9) & 0x3FFF) + coff
                    kv = (pkv & 0x1FF) + soff
                    v = plsc.load_gather(chunkv, [rel])
                    a = plsc.load_gather(smalls, [kv])
                    d = a - v
                    return acc + d * d * validf

                ps = jnp.sum(acc)
                return outvec + jnp.where(lane == p, ps, 0.0)

            outvec = lax.fori_loop(0, _NPL, plane_body,
                                   jnp.zeros((16,), f32))
            obuf[...] = outvec

        @pl.when(c == 0)
        def _():
            run(i1f)

        @pl.when(c == 1)
        def _():
            run(i2f)

        pltpu.sync_copy(obuf, sharedd.at[pl.ds(s * 16, 16)])
        plsc.subcore_barrier()

        @pl.when(s == 0)
        def _():
            pltpu.sync_copy(sharedd, redd)
            pltpu.sync_copy(shareds, reds)
            accd = jnp.zeros((16,), f32)
            accs = jnp.zeros((16,), f32)
            for i in range(_NSUB):
                accd = accd + redd[pl.ds(i * 16, 16)]
                accs = accs + reds[pl.ds(i * 16, 16)]
            obuf[...] = accd
            pltpu.sync_copy(obuf, outd.at[pl.ds(c * 16, 16)])

            @pl.when(c == 0)
            def _():
                obuf[...] = accs
                pltpu.sync_copy(obuf, outd.at[pl.ds(32, 16)])

    return sc_main


def _epilogue_body(d_ref, o_ref):
    x = d_ref[...]
    d2 = x[0:16]
    d1 = x[16:32]
    s1 = x[32:48]
    msk = lax.broadcasted_iota(jnp.int32, (16,), 0) < _NPL
    zero = jnp.zeros((16,), jnp.float32)
    lm = jnp.where(msk, jnp.sqrt(s1 + 1e-7), zero)
    l1 = jnp.where(msk, jnp.maximum(0.0, _MARGIN - jnp.sqrt(d1 + 1e-7)), zero)
    l2 = jnp.where(msk, jnp.maximum(0.0, _MARGIN - jnp.sqrt(d2 + 1e-7)), zero)
    o_ref[...] = jnp.sum(lm + l1 + l2, keepdims=True) / float(_NPL)


def kernel(img1, img1_out, img2, img2_out):
    del img1, img2
    i1f = img1_out.reshape(-1)
    i2f = img2_out.reshape(-1)
    pk = jnp.asarray(_PK_NP)
    gix = jnp.asarray(_GIX_NP)
    lens = jnp.asarray(_LENS_NP)
    chtab = jnp.asarray(_CHTAB_NP)
    (outd,) = _make_sc_kernel()(i1f, i2f, pk, gix, lens, chtab)
    res = pl.pallas_call(
        _epilogue_body,
        out_shape=jax.ShapeDtypeStruct((1,), jnp.float32),
    )(outd)
    return res[0]

# --- scband reference (transcript-rebuilt; emitter-appended) ---
"""Pipeline reference for scband-pixelwise-loss-58574763983723 (READ-ONLY COPY).

The authoritative reference and input builder live on the scoring server;
editing this copy changes nothing except your own understanding.
"""

import jax, jax.numpy as jnp
import numpy as np
import math

H = 512
W = 512
NUM_POS = 300
NUM_NEG = 300
MARGIN = 0.5


def _features_in_out(img, feats):
    # img: [B, C, H, W]; feats: [N, 2] int coords -> [B, C, N]
    return img[:, :, feats[:, 0], feats[:, 1]]


def _distance(x, y):
    diff = jnp.abs(x - y)
    diff = jnp.power(diff, 2).sum(-1)
    return jnp.sqrt(diff + 1e-07)


def _ring_around(key, feats, height):
    rep = jnp.tile(feats, (NUM_NEG, 1)).astype(jnp.float32)  # [NUM_POS*NUM_NEG, 2]
    n = rep.shape[0]
    k1, k2 = jax.random.split(key)
    radius = jax.random.uniform(k1, (1, n)) * 25.0 + 5.0
    angle = jax.random.uniform(k2, (1, n)) * (2.0 * math.pi)
    x_off = radius * jnp.cos(angle)
    y_off = radius * jnp.sin(angle)
    nonmatch_x = rep[:, 0] + x_off
    nonmatch_y = rep[:, 1] + y_off
    nonmatch = jnp.stack([nonmatch_x, nonmatch_y], axis=1).squeeze()  # [2, n]
    nonmatch = jnp.clip(nonmatch, 0, height - 1).astype(jnp.int32).T  # [n, 2]
    return nonmatch


def setup_inputs(seed: int = 0) -> dict:
    key = jax.random.key(seed)
    ks = jax.random.split(key, 4)
    img1 = jax.random.uniform(ks[0], (4, 3, H, W), dtype=jnp.float32)
    img1_out = jax.random.normal(ks[1], (4, 3, H, W), dtype=jnp.float32)
    img2 = jax.random.uniform(ks[2], (4, 3, H, W), dtype=jnp.float32)
    img2_out = jax.random.normal(ks[3], (4, 3, H, W), dtype=jnp.float32)
    return {"img1": img1, "img1_out": img1_out, "img2": img2, "img2_out": img2_out}


def reference(img1, img1_out, img2, img2_out):
    # edge_detection (cv2.Canny + random.sample) replaced by its deterministic
    # fallback path: random in-range pixel coordinates with a fixed key.
    fkey = jax.random.key(1234)
    k_a, k_p, k_r1, k_r2 = jax.random.split(fkey, 4)
    features_anchor = jax.random.randint(k_a, (NUM_POS, 2), 0, H)
    features_pos = jax.random.randint(k_p, (NUM_POS, 2), 0, H)

    # loss_matches
    f1 = _features_in_out(img1_out, features_anchor)
    f2 = _features_in_out(img2_out, features_pos)
    loss_matches = _distance(f1, f2).mean()

    # loss_non_matches
    ring1 = _ring_around(k_r1, features_anchor, H)
    ring2 = _ring_around(k_r2, features_pos, H)

    fa = _features_in_out(img1_out, features_anchor)
    fb = _features_in_out(img2_out, ring2)
    fa = jnp.tile(fa, (1, 1, NUM_NEG))
    dis1 = _distance(fa, fb)
    l1 = MARGIN + jnp.negative(dis1)
    loss1 = jnp.maximum(jnp.zeros_like(l1), l1).mean()

    fc = _features_in_out(img1_out, ring1)
    fd = _features_in_out(img2_out, features_pos)
    fd = jnp.tile(fd, (1, 1, NUM_NEG))
    dis2 = _distance(fc, fd)
    l2 = MARGIN + jnp.negative(dis2)
    loss2 = jnp.maximum(jnp.zeros_like(l2), l2).mean()

    loss_non_matches = loss1 + loss2
    return loss_matches + loss_non_matches

if __name__ == "__main__":
    import jax
    _d = setup_inputs()
    print(jax.jit(kernel)(*tuple(_d.values())))

</pallas_src>

<mosaic_0001>
#map = affine_map<(d0, d1) -> (0)>
#map1 = affine_map<(d0, d1) -> (0, 0)>
module attributes {stable_mosaic.version = 14 : i64} {
  func.func @sc_main(%arg0: i32, %arg1: i32, %arg2: memref<3145728xf32, #tpu.memory_space<hbm>>, %arg3: memref<3145728xf32, #tpu.memory_space<hbm>>, %arg4: memref<199168xi32, #tpu.memory_space<hbm>>, %arg5: memref<72x128xi32, #tpu.memory_space<hbm>>, %arg6: memref<32xi32, #tpu.memory_space<hbm>>, %arg7: memref<64xi32, #tpu.memory_space<hbm>>, %arg8: memref<48xf32, #tpu.memory_space<hbm>>, %arg9: memref<32768xf32, #tpu.memory_space<vmem>>, %arg10: memref<6224xi32, #tpu.memory_space<vmem>>, %arg11: memref<72x128xi32, #tpu.memory_space<vmem>>, %arg12: memref<9216xf32, #tpu.memory_space<vmem>>, %arg13: memref<128xf32, #tpu.memory_space<vmem>>, %arg14: memref<32xi32, #tpu.memory_space<vmem>>, %arg15: memref<64xi32, #tpu.memory_space<vmem>>, %arg16: memref<16xf32, #tpu.memory_space<vmem>>, %arg17: memref<256xf32, #tpu.memory_space<vmem>>, %arg18: memref<256xf32, #tpu.memory_space<vmem>>, %arg19: memref<9216xf32, #tpu.memory_space<vmem_shared>>, %arg20: memref<256xf32, #tpu.memory_space<vmem_shared>>, %arg21: memref<256xf32, #tpu.memory_space<vmem_shared>>, %arg22: memref<!tpu.dma_semaphore, #tpu.memory_space<semaphore_mem>>, %arg23: memref<!tpu.dma_semaphore, #tpu.memory_space<semaphore_mem>>) attributes {dimension_semantics = [#tpu.dimension_semantics<core_parallel>, #tpu.dimension_semantics<subcore_parallel>], iteration_bounds = array<i64: 2, 16>, scalar_prefetch = 0 : i64, scratch_operands = 15 : i64, tpu.core_type = #tpu.core_type<sc_vector_subcore>, window_params = [{transform_indices = #map}, {transform_indices = #map}, {transform_indices = #map}, {transform_indices = #map1}, {transform_indices = #map}, {transform_indices = #map}, {transform_indices = #map}]} {
    %iota3A = tpu.iota {dimensions = array<i32: 0>} : vector<16xi32>
    %mul3A = arith.constant 16 : i32
    %mul3A_0 = arith.muli %arg0, %mul3A : i32
    %add3A = arith.addi %mul3A_0, %arg1 : i32
    %mul3A_1 = arith.constant 6224 : i32
    %mul3A_2 = arith.muli %add3A, %mul3A_1 : i32
    "tpu.region"() ({
      %run_scoped3A = tpu.sem_alloc : memref<!tpu.dma_semaphore, #tpu.memory_space<semaphore_mem>>
      %dma_start3A = tpu.memref_slice %arg4[%mul3A_2] : memref<199168xi32, #tpu.memory_space<hbm>> -> memref<6224xi32, #tpu.memory_space<hbm>>
      %dma_start3A_158 = tpu.memref_slice %arg4[%mul3A_2] : memref<199168xi32, #tpu.memory_space<hbm>> -> memref<6224xi32, #tpu.memory_space<hbm>>
      tpu.enqueue_dma source(%dma_start3A_158 : memref<6224xi32, #tpu.memory_space<hbm>>) target(%arg10 : memref<6224xi32, #tpu.memory_space<vmem>>) target_semaphore(%run_scoped3A : memref<!tpu.dma_semaphore, #tpu.memory_space<semaphore_mem>>)
      %dma_wait3A = tpu.memref_slice %arg4[%mul3A_2] : memref<199168xi32, #tpu.memory_space<hbm>> -> memref<6224xi32, #tpu.memory_space<hbm>>
      %dma_wait3A_159 = tpu.memref_slice %arg4[%mul3A_2] : memref<199168xi32, #tpu.memory_space<hbm>> -> memref<6224xi32, #tpu.memory_space<hbm>>
      tpu.wait_dma2 semaphore(%run_scoped3A : memref<!tpu.dma_semaphore, #tpu.memory_space<semaphore_mem>>) src(%dma_wait3A_159 : memref<6224xi32, #tpu.memory_space<hbm>>) dst(%arg10 : memref<6224xi32, #tpu.memory_space<vmem>>)
      tpu.yield
    }) : () -> ()
    "tpu.region"() ({
      %run_scoped3A = tpu.sem_alloc : memref<!tpu.dma_semaphore, #tpu.memory_space<semaphore_mem>>
      tpu.enqueue_dma source(%arg5 : memref<72x128xi32, #tpu.memory_space<hbm>>) target(%arg11 : memref<72x128xi32, #tpu.memory_space<vmem>>) target_semaphore(%run_scoped3A : memref<!tpu.dma_semaphore, #tpu.memory_space<semaphore_mem>>)
      tpu.wait_dma2 semaphore(%run_scoped3A : memref<!tpu.dma_semaphore, #tpu.memory_space<semaphore_mem>>) src(%arg5 : memref<72x128xi32, #tpu.memory_space<hbm>>) dst(%arg11 : memref<72x128xi32, #tpu.memory_space<vmem>>)
      tpu.yield
    }) : () -> ()
    "tpu.region"() ({
      %run_scoped3A = tpu.sem_alloc : memref<!tpu.dma_semaphore, #tpu.memory_space<semaphore_mem>>
      tpu.enqueue_dma source(%arg6 : memref<32xi32, #tpu.memory_space<hbm>>) target(%arg14 : memref<32xi32, #tpu.memory_space<vmem>>) target_semaphore(%run_scoped3A : memref<!tpu.dma_semaphore, #tpu.memory_space<semaphore_mem>>)
      tpu.wait_dma2 semaphore(%run_scoped3A : memref<!tpu.dma_semaphore, #tpu.memory_space<semaphore_mem>>) src(%arg6 : memref<32xi32, #tpu.memory_space<hbm>>) dst(%arg14 : memref<32xi32, #tpu.memory_space<vmem>>)
      tpu.yield
    }) : () -> ()
    "tpu.region"() ({
      %run_scoped3A = tpu.sem_alloc : memref<!tpu.dma_semaphore, #tpu.memory_space<semaphore_mem>>
      tpu.enqueue_dma source(%arg7 : memref<64xi32, #tpu.memory_space<hbm>>) target(%arg15 : memref<64xi32, #tpu.memory_space<vmem>>) target_semaphore(%run_scoped3A : memref<!tpu.dma_semaphore, #tpu.memory_space<semaphore_mem>>)
      tpu.wait_dma2 semaphore(%run_scoped3A : memref<!tpu.dma_semaphore, #tpu.memory_space<semaphore_mem>>) src(%arg7 : memref<64xi32, #tpu.memory_space<hbm>>) dst(%arg15 : memref<64xi32, #tpu.memory_space<vmem>>)
      tpu.yield
    }) : () -> ()
    %eq3A = vector.broadcast %arg1 : i32 to vector<16xi32>
    %eq3A_3 = arith.cmpi eq, %iota3A, %eq3A : vector<16xi32>
    %mul3A_4 = arith.constant 16 : i32
    %mul3A_5 = arith.muli %arg0, %mul3A_4 : i32
    %get3A = arith.index_cast %mul3A_5 : i32 to index
    %get3A_6 = tpu.vector_load %arg14[%get3A] {strides = array<i32>} : memref<32xi32, #tpu.memory_space<vmem>>, vector<16xi32>,
    %jit3A = arith.constant 0 : i32
    %broadcast_in_dim3A = vector.broadcast %jit3A : i32 to vector<16xi32>
    %select_n3A = arith.select %eq3A_3, %get3A_6, %broadcast_in_dim3A : vector<16xi1>, vector<16xi32>
    %reduce_sum3A = arith.constant true
    %reduce_sum3A_7 = vector.broadcast %reduce_sum3A : i1 to vector<16xi1>
    %reduce_sum3A_8 = tpu.scan <sum>, %select_n3A masked %reduce_sum3A_7 : vector<16xi32>, vector<16xi1> -> vector<16xi32>
    %reduce_sum3A_9 = vector.extract %reduce_sum3A_8[15] : i32 from vector<16xi32>
    %eq3A_10 = vector.broadcast %arg1 : i32 to vector<16xi32>
    %eq3A_11 = arith.cmpi eq, %iota3A, %eq3A_10 : vector<16xi32>
    %mul3A_12 = arith.constant 2 : i32
    %mul3A_13 = arith.muli %arg0, %mul3A_12 : i32
    %mul3A_14 = arith.constant 16 : i32
    %mul3A_15 = arith.muli %mul3A_13, %mul3A_14 : i32
    %get3A_16 = arith.index_cast %mul3A_15 : i32 to index
    %get3A_17 = tpu.vector_load %arg15[%get3A_16] {strides = array<i32>} : memref<64xi32, #tpu.memory_space<vmem>>, vector<16xi32>,
    %jit3A_18 = arith.constant 0 : i32
    %broadcast_in_dim3A_19 = vector.broadcast %jit3A_18 : i32 to vector<16xi32>
    %select_n3A_20 = arith.select %eq3A_11, %get3A_17, %broadcast_in_dim3A_19 : vector<16xi1>, vector<16xi32>
    %reduce_sum3A_21 = arith.constant true
    %reduce_sum3A_22 = vector.broadcast %reduce_sum3A_21 : i1 to vector<16xi1>
    %reduce_sum3A_23 = tpu.scan <sum>, %select_n3A_20 masked %reduce_sum3A_22 : vector<16xi32>, vector<16xi1> -> vector<16xi32>
    %reduce_sum3A_24 = vector.extract %reduce_sum3A_23[15] : i32 from vector<16xi32>
    %eq3A_25 = vector.broadcast %arg1 : i32 to vector<16xi32>
    %eq3A_26 = arith.cmpi eq, %iota3A, %eq3A_25 : vector<16xi32>
    %mul3A_27 = arith.constant 2 : i32
    %mul3A_28 = arith.muli %arg0, %mul3A_27 : i32
    %mul3A_29 = arith.constant 16 : i32
    %mul3A_30 = arith.muli %mul3A_28, %mul3A_29 : i32
    %add3A_31 = arith.constant 16 : i32
    %add3A_32 = arith.addi %mul3A_30, %add3A_31 : i32
    %get3A_33 = arith.index_cast %add3A_32 : i32 to index
    %get3A_34 = tpu.vector_load %arg15[%get3A_33] {strides = array<i32>} : memref<64xi32, #tpu.memory_space<vmem>>, vector<16xi32>,
    %jit3A_35 = arith.constant 0 : i32
    %broadcast_in_dim3A_36 = vector.broadcast %jit3A_35 : i32 to vector<16xi32>
    %select_n3A_37 = arith.select %eq3A_26, %get3A_34, %broadcast_in_dim3A_36 : vector<16xi1>, vector<16xi32>
    %reduce_sum3A_38 = arith.constant true
    %reduce_sum3A_39 = vector.broadcast %reduce_sum3A_38 : i1 to vector<16xi1>
    %reduce_sum3A_40 = tpu.scan <sum>, %select_n3A_37 masked %reduce_sum3A_39 : vector<16xi32>, vector<16xi1> -> vector<16xi32>
    %reduce_sum3A_41 = vector.extract %reduce_sum3A_40[15] : i32 from vector<16xi32>
    %add3A_42 = arith.constant 0 : i32
    %add3A_43 = arith.addi %arg1, %add3A_42 : i32
    %lt3A = arith.constant 72 : i32
    %lt3A_44 = arith.cmpi slt, %add3A_43, %lt3A : i32
    %lt3A_45 = arith.constant 36 : i32
    %lt3A_46 = arith.cmpi slt, %add3A_43, %lt3A_45 : i32
    %and3A = arith.andi %lt3A_44, %lt3A_46 : i1
    %convert_element_type3A = arith.extui %and3A : i1 to i32
    %cond3A = arith.constant 0 : i32
    %cond3A_47 = arith.cmpi ne, %convert_element_type3A, %cond3A : i32
    scf.if %cond3A_47 {
      %dma_start3A = arith.constant 0 : i32
      %dma_start3A_158 = tpu.memref_slice %arg11[%add3A_43, %dma_start3A] : memref<72x128xi32, #tpu.memory_space<vmem>> -> memref<1x128xi32, #tpu.memory_space<vmem>>
      %dma_start3A_159 = tpu.memref_squeeze %dma_start3A_158 : memref<1x128xi32, #tpu.memory_space<vmem>> -> memref<128xi32, #tpu.memory_space<vmem>>
      %dma_start3A_160 = arith.constant 0 : i32
      %dma_start3A_161 = tpu.memref_slice %arg3[%dma_start3A_160] : memref<3145728xf32, #tpu.memory_space<hbm>> -> memref<3145728xf32, #tpu.memory_space<hbm>>
      tpu.enqueue_indirect_dma source(%dma_start3A_161 : memref<3145728xf32, #tpu.memory_space<hbm>>) target(%arg13 : memref<128xf32, #tpu.memory_space<vmem>>) offsets(%dma_start3A_159 : memref<128xi32, #tpu.memory_space<vmem>>) semaphore(%arg23 : memref<!tpu.dma_semaphore, #tpu.memory_space<semaphore_mem>>)
      %dma_wait3A = arith.constant 0 : i32
      %dma_wait3A_162 = tpu.memref_slice %arg11[%add3A_43, %dma_wait3A] : memref<72x128xi32, #tpu.memory_space<vmem>> -> memref<1x128xi32, #tpu.memory_space<vmem>>
      %dma_wait3A_163 = tpu.memref_squeeze %dma_wait3A_162 : memref<1x128xi32, #tpu.memory_space<vmem>> -> memref<128xi32, #tpu.memory_space<vmem>>
      %dma_wait3A_164 = arith.constant 0 : i32
      %dma_wait3A_165 = tpu.memref_slice %arg3[%dma_wait3A_164] : memref<3145728xf32, #tpu.memory_space<hbm>> -> memref<3145728xf32, #tpu.memory_space<hbm>>
      tpu.wait_indirect_dma semaphore(%arg23 : memref<!tpu.dma_semaphore, #tpu.memory_space<semaphore_mem>>) src(%dma_wait3A_165 : memref<3145728xf32, #tpu.memory_space<hbm>>) dst(%arg13 : memref<128xf32, #tpu.memory_space<vmem>>)
      %mul3A_166 = arith.constant 128 : i32
      %mul3A_167 = arith.muli %add3A_43, %mul3A_166 : i32
      "tpu.region"() ({
        %run_scoped3A = tpu.sem_alloc : memref<!tpu.dma_semaphore, #tpu.memory_space<semaphore_mem>>
        %dma_start3A_168 = tpu.memref_slice %arg19[%mul3A_167] : memref<9216xf32, #tpu.memory_space<vmem_shared>> -> memref<128xf32, #tpu.memory_space<vmem_shared>>
        %dma_start3A_169 = tpu.memref_slice %arg19[%mul3A_167] : memref<9216xf32, #tpu.memory_space<vmem_shared>> -> memref<128xf32, #tpu.memory_space<vmem_shared>>
        tpu.enqueue_dma source(%arg13 : memref<128xf32, #tpu.memory_space<vmem>>) target(%dma_start3A_169 : memref<128xf32, #tpu.memory_space<vmem_shared>>) target_semaphore(%run_scoped3A : memref<!tpu.dma_semaphore, #tpu.memory_space<semaphore_mem>>)
        %dma_wait3A_170 = tpu.memref_slice %arg19[%mul3A_167] : memref<9216xf32, #tpu.memory_space<vmem_shared>> -> memref<128xf32, #tpu.memory_space<vmem_shared>>
        %dma_wait3A_171 = tpu.memref_slice %arg19[%mul3A_167] : memref<9216xf32, #tpu.memory_space<vmem_shared>> -> memref<128xf32, #tpu.memory_space<vmem_shared>>
        tpu.wait_dma2 semaphore(%run_scoped3A : memref<!tpu.dma_semaphore, #tpu.memory_space<semaphore_mem>>) src(%arg13 : memref<128xf32, #tpu.memory_space<vmem>>) dst(%dma_wait3A_171 : memref<128xf32, #tpu.memory_space<vmem_shared>>)
        tpu.yield
      }) : () -> ()
    } else {
    }
    %lt3A_48 = arith.constant 72 : i32
    %lt3A_49 = arith.cmpi slt, %add3A_43, %lt3A_48 : i32
    %ge3A = arith.constant 36 : i32
    %ge3A_50 = arith.cmpi sge, %add3A_43, %ge3A : i32
    %and3A_51 = arith.andi %lt3A_49, %ge3A_50 : i1
    %convert_element_type3A_52 = arith.extui %and3A_51 : i1 to i32
    %cond3A_53 = arith.constant 0 : i32
    %cond3A_54 = arith.cmpi ne, %convert_element_type3A_52, %cond3A_53 : i32
    scf.if %cond3A_54 {
      %dma_start3A = arith.constant 0 : i32
      %dma_start3A_158 = tpu.memref_slice %arg11[%add3A_43, %dma_start3A] : memref<72x128xi32, #tpu.memory_space<vmem>> -> memref<1x128xi32, #tpu.memory_space<vmem>>
      %dma_start3A_159 = tpu.memref_squeeze %dma_start3A_158 : memref<1x128xi32, #tpu.memory_space<vmem>> -> memref<128xi32, #tpu.memory_space<vmem>>
      %dma_start3A_160 = arith.constant 0 : i32
      %dma_start3A_161 = tpu.memref_slice %arg2[%dma_start3A_160] : memref<3145728xf32, #tpu.memory_space<hbm>> -> memref<3145728xf32, #tpu.memory_space<hbm>>
      tpu.enqueue_indirect_dma source(%dma_start3A_161 : memref<3145728xf32, #tpu.memory_space<hbm>>) target(%arg13 : memref<128xf32, #tpu.memory_space<vmem>>) offsets(%dma_start3A_159 : memref<128xi32, #tpu.memory_space<vmem>>) semaphore(%arg23 : memref<!tpu.dma_semaphore, #tpu.memory_space<semaphore_mem>>)
      %dma_wait3A = arith.constant 0 : i32
      %dma_wait3A_162 = tpu.memref_slice %arg11[%add3A_43, %dma_wait3A] : memref<72x128xi32, #tpu.memory_space<vmem>> -> memref<1x128xi32, #tpu.memory_space<vmem>>
      %dma_wait3A_163 = tpu.memref_squeeze %dma_wait3A_162 : memref<1x128xi32, #tpu.memory_space<vmem>> -> memref<128xi32, #tpu.memory_space<vmem>>
      %dma_wait3A_164 = arith.constant 0 : i32
      %dma_wait3A_165 = tpu.memref_slice %arg2[%dma_wait3A_164] : memref<3145728xf32, #tpu.memory_space<hbm>> -> memref<3145728xf32, #tpu.memory_space<hbm>>
      tpu.wait_indirect_dma semaphore(%arg23 : memref<!tpu.dma_semaphore, #tpu.memory_space<semaphore_mem>>) src(%dma_wait3A_165 : memref<3145728xf32, #tpu.memory_space<hbm>>) dst(%arg13 : memref<128xf32, #tpu.memory_space<vmem>>)
      %mul3A_166 = arith.constant 128 : i32
      %mul3A_167 = arith.muli %add3A_43, %mul3A_166 : i32
      "tpu.region"() ({
        %run_scoped3A = tpu.sem_alloc : memref<!tpu.dma_semaphore, #tpu.memory_space<semaphore_mem>>
        %dma_start3A_168 = tpu.memref_slice %arg19[%mul3A_167] : memref<9216xf32, #tpu.memory_space<vmem_shared>> -> memref<128xf32, #tpu.memory_space<vmem_shared>>
        %dma_start3A_169 = tpu.memref_slice %arg19[%mul3A_167] : memref<9216xf32, #tpu.memory_space<vmem_shared>> -> memref<128xf32, #tpu.memory_space<vmem_shared>>
        tpu.enqueue_dma source(%arg13 : memref<128xf32, #tpu.memory_space<vmem>>) target(%dma_start3A_169 : memref<128xf32, #tpu.memory_space<vmem_shared>>) target_semaphore(%run_scoped3A : memref<!tpu.dma_semaphore, #tpu.memory_space<semaphore_mem>>)
        %dma_wait3A_170 = tpu.memref_slice %arg19[%mul3A_167] : memref<9216xf32, #tpu.memory_space<vmem_shared>> -> memref<128xf32, #tpu.memory_space<vmem_shared>>
        %dma_wait3A_171 = tpu.memref_slice %arg19[%mul3A_167] : memref<9216xf32, #tpu.memory_space<vmem_shared>> -> memref<128xf32, #tpu.memory_space<vmem_shared>>
        tpu.wait_dma2 semaphore(%run_scoped3A : memref<!tpu.dma_semaphore, #tpu.memory_space<semaphore_mem>>) src(%arg13 : memref<128xf32, #tpu.memory_space<vmem>>) dst(%dma_wait3A_171 : memref<128xf32, #tpu.memory_space<vmem_shared>>)
        tpu.yield
      }) : () -> ()
    } else {
    }
    %add3A_55 = arith.constant 16 : i32
    %add3A_56 = arith.addi %arg1, %add3A_55 : i32
    %lt3A_57 = arith.constant 72 : i32
    %lt3A_58 = arith.cmpi slt, %add3A_56, %lt3A_57 : i32
    %lt3A_59 = arith.constant 36 : i32
    %lt3A_60 = arith.cmpi slt, %add3A_56, %lt3A_59 : i32
    %and3A_61 = arith.andi %lt3A_58, %lt3A_60 : i1
    %convert_element_type3A_62 = arith.extui %and3A_61 : i1 to i32
    %cond3A_63 = arith.constant 0 : i32
    %cond3A_64 = arith.cmpi ne, %convert_element_type3A_62, %cond3A_63 : i32
    scf.if %cond3A_64 {
      %dma_start3A = arith.constant 0 : i32
      %dma_start3A_158 = tpu.memref_slice %arg11[%add3A_56, %dma_start3A] : memref<72x128xi32, #tpu.memory_space<vmem>> -> memref<1x128xi32, #tpu.memory_space<vmem>>
      %dma_start3A_159 = tpu.memref_squeeze %dma_start3A_158 : memref<1x128xi32, #tpu.memory_space<vmem>> -> memref<128xi32, #tpu.memory_space<vmem>>
      %dma_start3A_160 = arith.constant 0 : i32
      %dma_start3A_161 = tpu.memref_slice %arg3[%dma_start3A_160] : memref<3145728xf32, #tpu.memory_space<hbm>> -> memref<3145728xf32, #tpu.memory_space<hbm>>
      tpu.enqueue_indirect_dma source(%dma_start3A_161 : memref<3145728xf32, #tpu.memory_space<hbm>>) target(%arg13 : memref<128xf32, #tpu.memory_space<vmem>>) offsets(%dma_start3A_159 : memref<128xi32, #tpu.memory_space<vmem>>) semaphore(%arg23 : memref<!tpu.dma_semaphore, #tpu.memory_space<semaphore_mem>>)
      %dma_wait3A = arith.constant 0 : i32
      %dma_wait3A_162 = tpu.memref_slice %arg11[%add3A_56, %dma_wait3A] : memref<72x128xi32, #tpu.memory_space<vmem>> -> memref<1x128xi32, #tpu.memory_space<vmem>>
      %dma_wait3A_163 = tpu.memref_squeeze %dma_wait3A_162 : memref<1x128xi32, #tpu.memory_space<vmem>> -> memref<128xi32, #tpu.memory_space<vmem>>
      %dma_wait3A_164 = arith.constant 0 : i32
      %dma_wait3A_165 = tpu.memref_slice %arg3[%dma_wait3A_164] : memref<3145728xf32, #tpu.memory_space<hbm>> -> memref<3145728xf32, #tpu.memory_space<hbm>>
      tpu.wait_indirect_dma semaphore(%arg23 : memref<!tpu.dma_semaphore, #tpu.memory_space<semaphore_mem>>) src(%dma_wait3A_165 : memref<3145728xf32, #tpu.memory_space<hbm>>) dst(%arg13 : memref<128xf32, #tpu.memory_space<vmem>>)
      %mul3A_166 = arith.constant 128 : i32
      %mul3A_167 = arith.muli %add3A_56, %mul3A_166 : i32
      "tpu.region"() ({
        %run_scoped3A = tpu.sem_alloc : memref<!tpu.dma_semaphore, #tpu.memory_space<semaphore_mem>>
        %dma_start3A_168 = tpu.memref_slice %arg19[%mul3A_167] : memref<9216xf32, #tpu.memory_space<vmem_shared>> -> memref<128xf32, #tpu.memory_space<vmem_shared>>
        %dma_start3A_169 = tpu.memref_slice %arg19[%mul3A_167] : memref<9216xf32, #tpu.memory_space<vmem_shared>> -> memref<128xf32, #tpu.memory_space<vmem_shared>>
        tpu.enqueue_dma source(%arg13 : memref<128xf32, #tpu.memory_space<vmem>>) target(%dma_start3A_169 : memref<128xf32, #tpu.memory_space<vmem_shared>>) target_semaphore(%run_scoped3A : memref<!tpu.dma_semaphore, #tpu.memory_space<semaphore_mem>>)
        %dma_wait3A_170 = tpu.memref_slice %arg19[%mul3A_167] : memref<9216xf32, #tpu.memory_space<vmem_shared>> -> memref<128xf32, #tpu.memory_space<vmem_shared>>
        %dma_wait3A_171 = tpu.memref_slice %arg19[%mul3A_167] : memref<9216xf32, #tpu.memory_space<vmem_shared>> -> memref<128xf32, #tpu.memory_space<vmem_shared>>
        tpu.wait_dma2 semaphore(%run_scoped3A : memref<!tpu.dma_semaphore, #tpu.memory_space<semaphore_mem>>) src(%arg13 : memref<128xf32, #tpu.memory_space<vmem>>) dst(%dma_wait3A_171 : memref<128xf32, #tpu.memory_space<vmem_shared>>)
        tpu.yield
      }) : () -> ()
    } else {
    }
    %lt3A_65 = arith.constant 72 : i32
    %lt3A_66 = arith.cmpi slt, %add3A_56, %lt3A_65 : i32
    %ge3A_67 = arith.constant 36 : i32
    %ge3A_68 = arith.cmpi sge, %add3A_56, %ge3A_67 : i32
    %and3A_69 = arith.andi %lt3A_66, %ge3A_68 : i1
    %convert_element_type3A_70 = arith.extui %and3A_69 : i1 to i32
    %cond3A_71 = arith.constant 0 : i32
    %cond3A_72 = arith.cmpi ne, %convert_element_type3A_70, %cond3A_71 : i32
    scf.if %cond3A_72 {
      %dma_start3A = arith.constant 0 : i32
      %dma_start3A_158 = tpu.memref_slice %arg11[%add3A_56, %dma_start3A] : memref<72x128xi32, #tpu.memory_space<vmem>> -> memref<1x128xi32, #tpu.memory_space<vmem>>
      %dma_start3A_159 = tpu.memref_squeeze %dma_start3A_158 : memref<1x128xi32, #tpu.memory_space<vmem>> -> memref<128xi32, #tpu.memory_space<vmem>>
      %dma_start3A_160 = arith.constant 0 : i32
      %dma_start3A_161 = tpu.memref_slice %arg2[%dma_start3A_160] : memref<3145728xf32, #tpu.memory_space<hbm>> -> memref<3145728xf32, #tpu.memory_space<hbm>>
      tpu.enqueue_indirect_dma source(%dma_start3A_161 : memref<3145728xf32, #tpu.memory_space<hbm>>) target(%arg13 : memref<128xf32, #tpu.memory_space<vmem>>) offsets(%dma_start3A_159 : memref<128xi32, #tpu.memory_space<vmem>>) semaphore(%arg23 : memref<!tpu.dma_semaphore, #tpu.memory_space<semaphore_mem>>)
      %dma_wait3A = arith.constant 0 : i32
      %dma_wait3A_162 = tpu.memref_slice %arg11[%add3A_56, %dma_wait3A] : memref<72x128xi32, #tpu.memory_space<vmem>> -> memref<1x128xi32, #tpu.memory_space<vmem>>
      %dma_wait3A_163 = tpu.memref_squeeze %dma_wait3A_162 : memref<1x128xi32, #tpu.memory_space<vmem>> -> memref<128xi32, #tpu.memory_space<vmem>>
      %dma_wait3A_164 = arith.constant 0 : i32
      %dma_wait3A_165 = tpu.memref_slice %arg2[%dma_wait3A_164] : memref<3145728xf32, #tpu.memory_space<hbm>> -> memref<3145728xf32, #tpu.memory_space<hbm>>
      tpu.wait_indirect_dma semaphore(%arg23 : memref<!tpu.dma_semaphore, #tpu.memory_space<semaphore_mem>>) src(%dma_wait3A_165 : memref<3145728xf32, #tpu.memory_space<hbm>>) dst(%arg13 : memref<128xf32, #tpu.memory_space<vmem>>)
      %mul3A_166 = arith.constant 128 : i32
      %mul3A_167 = arith.muli %add3A_56, %mul3A_166 : i32
      "tpu.region"() ({
        %run_scoped3A = tpu.sem_alloc : memref<!tpu.dma_semaphore, #tpu.memory_space<semaphore_mem>>
        %dma_start3A_168 = tpu.memref_slice %arg19[%mul3A_167] : memref<9216xf32, #tpu.memory_space<vmem_shared>> -> memref<128xf32, #tpu.memory_space<vmem_shared>>
        %dma_start3A_169 = tpu.memref_slice %arg19[%mul3A_167] : memref<9216xf32, #tpu.memory_space<vmem_shared>> -> memref<128xf32, #tpu.memory_space<vmem_shared>>
        tpu.enqueue_dma source(%arg13 : memref<128xf32, #tpu.memory_space<vmem>>) target(%dma_start3A_169 : memref<128xf32, #tpu.memory_space<vmem_shared>>) target_semaphore(%run_scoped3A : memref<!tpu.dma_semaphore, #tpu.memory_space<semaphore_mem>>)
        %dma_wait3A_170 = tpu.memref_slice %arg19[%mul3A_167] : memref<9216xf32, #tpu.memory_space<vmem_shared>> -> memref<128xf32, #tpu.memory_space<vmem_shared>>
        %dma_wait3A_171 = tpu.memref_slice %arg19[%mul3A_167] : memref<9216xf32, #tpu.memory_space<vmem_shared>> -> memref<128xf32, #tpu.memory_space<vmem_shared>>
        tpu.wait_dma2 semaphore(%run_scoped3A : memref<!tpu.dma_semaphore, #tpu.memory_space<semaphore_mem>>) src(%arg13 : memref<128xf32, #tpu.memory_space<vmem>>) dst(%dma_wait3A_171 : memref<128xf32, #tpu.memory_space<vmem_shared>>)
        tpu.yield
      }) : () -> ()
    } else {
    }
    %add3A_73 = arith.constant 32 : i32
    %add3A_74 = arith.addi %arg1, %add3A_73 : i32
    %lt3A_75 = arith.constant 72 : i32
    %lt3A_76 = arith.cmpi slt, %add3A_74, %lt3A_75 : i32
    %lt3A_77 = arith.constant 36 : i32
    %lt3A_78 = arith.cmpi slt, %add3A_74, %lt3A_77 : i32
    %and3A_79 = arith.andi %lt3A_76, %lt3A_78 : i1
    %convert_element_type3A_80 = arith.extui %and3A_79 : i1 to i32
    %cond3A_81 = arith.constant 0 : i32
    %cond3A_82 = arith.cmpi ne, %convert_element_type3A_80, %cond3A_81 : i32
    scf.if %cond3A_82 {
      %dma_start3A = arith.constant 0 : i32
      %dma_start3A_158 = tpu.memref_slice %arg11[%add3A_74, %dma_start3A] : memref<72x128xi32, #tpu.memory_space<vmem>> -> memref<1x128xi32, #tpu.memory_space<vmem>>
      %dma_start3A_159 = tpu.memref_squeeze %dma_start3A_158 : memref<1x128xi32, #tpu.memory_space<vmem>> -> memref<128xi32, #tpu.memory_space<vmem>>
      %dma_start3A_160 = arith.constant 0 : i32
      %dma_start3A_161 = tpu.memref_slice %arg3[%dma_start3A_160] : memref<3145728xf32, #tpu.memory_space<hbm>> -> memref<3145728xf32, #tpu.memory_space<hbm>>
      tpu.enqueue_indirect_dma source(%dma_start3A_161 : memref<3145728xf32, #tpu.memory_space<hbm>>) target(%arg13 : memref<128xf32, #tpu.memory_space<vmem>>) offsets(%dma_start3A_159 : memref<128xi32, #tpu.memory_space<vmem>>) semaphore(%arg23 : memref<!tpu.dma_semaphore, #tpu.memory_space<semaphore_mem>>)
      %dma_wait3A = arith.constant 0 : i32
      %dma_wait3A_162 = tpu.memref_slice %arg11[%add3A_74, %dma_wait3A] : memref<72x128xi32, #tpu.memory_space<vmem>> -> memref<1x128xi32, #tpu.memory_space<vmem>>
      %dma_wait3A_163 = tpu.memref_squeeze %dma_wait3A_162 : memref<1x128xi32, #tpu.memory_space<vmem>> -> memref<128xi32, #tpu.memory_space<vmem>>
      %dma_wait3A_164 = arith.constant 0 : i32
      %dma_wait3A_165 = tpu.memref_slice %arg3[%dma_wait3A_164] : memref<3145728xf32, #tpu.memory_space<hbm>> -> memref<3145728xf32, #tpu.memory_space<hbm>>
      tpu.wait_indirect_dma semaphore(%arg23 : memref<!tpu.dma_semaphore, #tpu.memory_space<semaphore_mem>>) src(%dma_wait3A_165 : memref<3145728xf32, #tpu.memory_space<hbm>>) dst(%arg13 : memref<128xf32, #tpu.memory_space<vmem>>)
      %mul3A_166 = arith.constant 128 : i32
      %mul3A_167 = arith.muli %add3A_74, %mul3A_166 : i32
      "tpu.region"() ({
        %run_scoped3A = tpu.sem_alloc : memref<!tpu.dma_semaphore, #tpu.memory_space<semaphore_mem>>
        %dma_start3A_168 = tpu.memref_slice %arg19[%mul3A_167] : memref<9216xf32, #tpu.memory_space<vmem_shared>> -> memref<128xf32, #tpu.memory_space<vmem_shared>>
        %dma_start3A_169 = tpu.memref_slice %arg19[%mul3A_167] : memref<9216xf32, #tpu.memory_space<vmem_shared>> -> memref<128xf32, #tpu.memory_space<vmem_shared>>
        tpu.enqueue_dma source(%arg13 : memref<128xf32, #tpu.memory_space<vmem>>) target(%dma_start3A_169 : memref<128xf32, #tpu.memory_space<vmem_shared>>) target_semaphore(%run_scoped3A : memref<!tpu.dma_semaphore, #tpu.memory_space<semaphore_mem>>)
        %dma_wait3A_170 = tpu.memref_slice %arg19[%mul3A_167] : memref<9216xf32, #tpu.memory_space<vmem_shared>> -> memref<128xf32, #tpu.memory_space<vmem_shared>>
        %dma_wait3A_171 = tpu.memref_slice %arg19[%mul3A_167] : memref<9216xf32, #tpu.memory_space<vmem_shared>> -> memref<128xf32, #tpu.memory_space<vmem_shared>>
        tpu.wait_dma2 semaphore(%run_scoped3A : memref<!tpu.dma_semaphore, #tpu.memory_space<semaphore_mem>>) src(%arg13 : memref<128xf32, #tpu.memory_space<vmem>>) dst(%dma_wait3A_171 : memref<128xf32, #tpu.memory_space<vmem_shared>>)
        tpu.yield
      }) : () -> ()
    } else {
    }
    %lt3A_83 = arith.constant 72 : i32
    %lt3A_84 = arith.cmpi slt, %add3A_74, %lt3A_83 : i32
    %ge3A_85 = arith.constant 36 : i32
    %ge3A_86 = arith.cmpi sge, %add3A_74, %ge3A_85 : i32
    %and3A_87 = arith.andi %lt3A_84, %ge3A_86 : i1
    %convert_element_type3A_88 = arith.extui %and3A_87 : i1 to i32
    %cond3A_89 = arith.constant 0 : i32
    %cond3A_90 = arith.cmpi ne, %convert_element_type3A_88, %cond3A_89 : i32
    scf.if %cond3A_90 {
      %dma_start3A = arith.constant 0 : i32
      %dma_start3A_158 = tpu.memref_slice %arg11[%add3A_74, %dma_start3A] : memref<72x128xi32, #tpu.memory_space<vmem>> -> memref<1x128xi32, #tpu.memory_space<vmem>>
      %dma_start3A_159 = tpu.memref_squeeze %dma_start3A_158 : memref<1x128xi32, #tpu.memory_space<vmem>> -> memref<128xi32, #tpu.memory_space<vmem>>
      %dma_start3A_160 = arith.constant 0 : i32
      %dma_start3A_161 = tpu.memref_slice %arg2[%dma_start3A_160] : memref<3145728xf32, #tpu.memory_space<hbm>> -> memref<3145728xf32, #tpu.memory_space<hbm>>
      tpu.enqueue_indirect_dma source(%dma_start3A_161 : memref<3145728xf32, #tpu.memory_space<hbm>>) target(%arg13 : memref<128xf32, #tpu.memory_space<vmem>>) offsets(%dma_start3A_159 : memref<128xi32, #tpu.memory_space<vmem>>) semaphore(%arg23 : memref<!tpu.dma_semaphore, #tpu.memory_space<semaphore_mem>>)
      %dma_wait3A = arith.constant 0 : i32
      %dma_wait3A_162 = tpu.memref_slice %arg11[%add3A_74, %dma_wait3A] : memref<72x128xi32, #tpu.memory_space<vmem>> -> memref<1x128xi32, #tpu.memory_space<vmem>>
      %dma_wait3A_163 = tpu.memref_squeeze %dma_wait3A_162 : memref<1x128xi32, #tpu.memory_space<vmem>> -> memref<128xi32, #tpu.memory_space<vmem>>
      %dma_wait3A_164 = arith.constant 0 : i32
      %dma_wait3A_165 = tpu.memref_slice %arg2[%dma_wait3A_164] : memref<3145728xf32, #tpu.memory_space<hbm>> -> memref<3145728xf32, #tpu.memory_space<hbm>>
      tpu.wait_indirect_dma semaphore(%arg23 : memref<!tpu.dma_semaphore, #tpu.memory_space<semaphore_mem>>) src(%dma_wait3A_165 : memref<3145728xf32, #tpu.memory_space<hbm>>) dst(%arg13 : memref<128xf32, #tpu.memory_space<vmem>>)
      %mul3A_166 = arith.constant 128 : i32
      %mul3A_167 = arith.muli %add3A_74, %mul3A_166 : i32
      "tpu.region"() ({
        %run_scoped3A = tpu.sem_alloc : memref<!tpu.dma_semaphore, #tpu.memory_space<semaphore_mem>>
        %dma_start3A_168 = tpu.memref_slice %arg19[%mul3A_167] : memref<9216xf32, #tpu.memory_space<vmem_shared>> -> memref<128xf32, #tpu.memory_space<vmem_shared>>
        %dma_start3A_169 = tpu.memref_slice %arg19[%mul3A_167] : memref<9216xf32, #tpu.memory_space<vmem_shared>> -> memref<128xf32, #tpu.memory_space<vmem_shared>>
        tpu.enqueue_dma source(%arg13 : memref<128xf32, #tpu.memory_space<vmem>>) target(%dma_start3A_169 : memref<128xf32, #tpu.memory_space<vmem_shared>>) target_semaphore(%run_scoped3A : memref<!tpu.dma_semaphore, #tpu.memory_space<semaphore_mem>>)
        %dma_wait3A_170 = tpu.memref_slice %arg19[%mul3A_167] : memref<9216xf32, #tpu.memory_space<vmem_shared>> -> memref<128xf32, #tpu.memory_space<vmem_shared>>
        %dma_wait3A_171 = tpu.memref_slice %arg19[%mul3A_167] : memref<9216xf32, #tpu.memory_space<vmem_shared>> -> memref<128xf32, #tpu.memory_space<vmem_shared>>
        tpu.wait_dma2 semaphore(%run_scoped3A : memref<!tpu.dma_semaphore, #tpu.memory_space<semaphore_mem>>) src(%arg13 : memref<128xf32, #tpu.memory_space<vmem>>) dst(%dma_wait3A_171 : memref<128xf32, #tpu.memory_space<vmem_shared>>)
        tpu.yield
      }) : () -> ()
    } else {
    }
    %add3A_91 = arith.constant 48 : i32
    %add3A_92 = arith.addi %arg1, %add3A_91 : i32
    %lt3A_93 = arith.constant 72 : i32
    %lt3A_94 = arith.cmpi slt, %add3A_92, %lt3A_93 : i32
    %lt3A_95 = arith.constant 36 : i32
    %lt3A_96 = arith.cmpi slt, %add3A_92, %lt3A_95 : i32
    %and3A_97 = arith.andi %lt3A_94, %lt3A_96 : i1
    %convert_element_type3A_98 = arith.extui %and3A_97 : i1 to i32
    %cond3A_99 = arith.constant 0 : i32
    %cond3A_100 = arith.cmpi ne, %convert_element_type3A_98, %cond3A_99 : i32
    scf.if %cond3A_100 {
      %dma_start3A = arith.constant 0 : i32
      %dma_start3A_158 = tpu.memref_slice %arg11[%add3A_92, %dma_start3A] : memref<72x128xi32, #tpu.memory_space<vmem>> -> memref<1x128xi32, #tpu.memory_space<vmem>>
      %dma_start3A_159 = tpu.memref_squeeze %dma_start3A_158 : memref<1x128xi32, #tpu.memory_space<vmem>> -> memref<128xi32, #tpu.memory_space<vmem>>
      %dma_start3A_160 = arith.constant 0 : i32
      %dma_start3A_161 = tpu.memref_slice %arg3[%dma_start3A_160] : memref<3145728xf32, #tpu.memory_space<hbm>> -> memref<3145728xf32, #tpu.memory_space<hbm>>
      tpu.enqueue_indirect_dma source(%dma_start3A_161 : memref<3145728xf32, #tpu.memory_space<hbm>>) target(%arg13 : memref<128xf32, #tpu.memory_space<vmem>>) offsets(%dma_start3A_159 : memref<128xi32, #tpu.memory_space<vmem>>) semaphore(%arg23 : memref<!tpu.dma_semaphore, #tpu.memory_space<semaphore_mem>>)
      %dma_wait3A = arith.constant 0 : i32
      %dma_wait3A_162 = tpu.memref_slice %arg11[%add3A_92, %dma_wait3A] : memref<72x128xi32, #tpu.memory_space<vmem>> -> memref<1x128xi32, #tpu.memory_space<vmem>>
      %dma_wait3A_163 = tpu.memref_squeeze %dma_wait3A_162 : memref<1x128xi32, #tpu.memory_space<vmem>> -> memref<128xi32, #tpu.memory_space<vmem>>
      %dma_wait3A_164 = arith.constant 0 : i32
      %dma_wait3A_165 = tpu.memref_slice %arg3[%dma_wait3A_164] : memref<3145728xf32, #tpu.memory_space<hbm>> -> memref<3145728xf32, #tpu.memory_space<hbm>>
      tpu.wait_indirect_dma semaphore(%arg23 : memref<!tpu.dma_semaphore, #tpu.memory_space<semaphore_mem>>) src(%dma_wait3A_165 : memref<3145728xf32, #tpu.memory_space<hbm>>) dst(%arg13 : memref<128xf32, #tpu.memory_space<vmem>>)
      %mul3A_166 = arith.constant 128 : i32
      %mul3A_167 = arith.muli %add3A_92, %mul3A_166 : i32
      "tpu.region"() ({
        %run_scoped3A = tpu.sem_alloc : memref<!tpu.dma_semaphore, #tpu.memory_space<semaphore_mem>>
        %dma_start3A_168 = tpu.memref_slice %arg19[%mul3A_167] : memref<9216xf32, #tpu.memory_space<vmem_shared>> -> memref<128xf32, #tpu.memory_space<vmem_shared>>
        %dma_start3A_169 = tpu.memref_slice %arg19[%mul3A_167] : memref<9216xf32, #tpu.memory_space<vmem_shared>> -> memref<128xf32, #tpu.memory_space<vmem_shared>>
        tpu.enqueue_dma source(%arg13 : memref<128xf32, #tpu.memory_space<vmem>>) target(%dma_start3A_169 : memref<128xf32, #tpu.memory_space<vmem_shared>>) target_semaphore(%run_scoped3A : memref<!tpu.dma_semaphore, #tpu.memory_space<semaphore_mem>>)
        %dma_wait3A_170 = tpu.memref_slice %arg19[%mul3A_167] : memref<9216xf32, #tpu.memory_space<vmem_shared>> -> memref<128xf32, #tpu.memory_space<vmem_shared>>
        %dma_wait3A_171 = tpu.memref_slice %arg19[%mul3A_167] : memref<9216xf32, #tpu.memory_space<vmem_shared>> -> memref<128xf32, #tpu.memory_space<vmem_shared>>
        tpu.wait_dma2 semaphore(%run_scoped3A : memref<!tpu.dma_semaphore, #tpu.memory_space<semaphore_mem>>) src(%arg13 : memref<128xf32, #tpu.memory_space<vmem>>) dst(%dma_wait3A_171 : memref<128xf32, #tpu.memory_space<vmem_shared>>)
        tpu.yield
      }) : () -> ()
    } else {
    }
    %lt3A_101 = arith.constant 72 : i32
    %lt3A_102 = arith.cmpi slt, %add3A_92, %lt3A_101 : i32
    %ge3A_103 = arith.constant 36 : i32
    %ge3A_104 = arith.cmpi sge, %add3A_92, %ge3A_103 : i32
    %and3A_105 = arith.andi %lt3A_102, %ge3A_104 : i1
    %convert_element_type3A_106 = arith.extui %and3A_105 : i1 to i32
    %cond3A_107 = arith.constant 0 : i32
    %cond3A_108 = arith.cmpi ne, %convert_element_type3A_106, %cond3A_107 : i32
    scf.if %cond3A_108 {
      %dma_start3A = arith.constant 0 : i32
      %dma_start3A_158 = tpu.memref_slice %arg11[%add3A_92, %dma_start3A] : memref<72x128xi32, #tpu.memory_space<vmem>> -> memref<1x128xi32, #tpu.memory_space<vmem>>
      %dma_start3A_159 = tpu.memref_squeeze %dma_start3A_158 : memref<1x128xi32, #tpu.memory_space<vmem>> -> memref<128xi32, #tpu.memory_space<vmem>>
      %dma_start3A_160 = arith.constant 0 : i32
      %dma_start3A_161 = tpu.memref_slice %arg2[%dma_start3A_160] : memref<3145728xf32, #tpu.memory_space<hbm>> -> memref<3145728xf32, #tpu.memory_space<hbm>>
      tpu.enqueue_indirect_dma source(%dma_start3A_161 : memref<3145728xf32, #tpu.memory_space<hbm>>) target(%arg13 : memref<128xf32, #tpu.memory_space<vmem>>) offsets(%dma_start3A_159 : memref<128xi32, #tpu.memory_space<vmem>>) semaphore(%arg23 : memref<!tpu.dma_semaphore, #tpu.memory_space<semaphore_mem>>)
      %dma_wait3A = arith.constant 0 : i32
      %dma_wait3A_162 = tpu.memref_slice %arg11[%add3A_92, %dma_wait3A] : memref<72x128xi32, #tpu.memory_space<vmem>> -> memref<1x128xi32, #tpu.memory_space<vmem>>
      %dma_wait3A_163 = tpu.memref_squeeze %dma_wait3A_162 : memref<1x128xi32, #tpu.memory_space<vmem>> -> memref<128xi32, #tpu.memory_space<vmem>>
      %dma_wait3A_164 = arith.constant 0 : i32
      %dma_wait3A_165 = tpu.memref_slice %arg2[%dma_wait3A_164] : memref<3145728xf32, #tpu.memory_space<hbm>> -> memref<3145728xf32, #tpu.memory_space<hbm>>
      tpu.wait_indirect_dma semaphore(%arg23 : memref<!tpu.dma_semaphore, #tpu.memory_space<semaphore_mem>>) src(%dma_wait3A_165 : memref<3145728xf32, #tpu.memory_space<hbm>>) dst(%arg13 : memref<128xf32, #tpu.memory_space<vmem>>)
      %mul3A_166 = arith.constant 128 : i32
      %mul3A_167 = arith.muli %add3A_92, %mul3A_166 : i32
      "tpu.region"() ({
        %run_scoped3A = tpu.sem_alloc : memref<!tpu.dma_semaphore, #tpu.memory_space<semaphore_mem>>
        %dma_start3A_168 = tpu.memref_slice %arg19[%mul3A_167] : memref<9216xf32, #tpu.memory_space<vmem_shared>> -> memref<128xf32, #tpu.memory_space<vmem_shared>>
        %dma_start3A_169 = tpu.memref_slice %arg19[%mul3A_167] : memref<9216xf32, #tpu.memory_space<vmem_shared>> -> memref<128xf32, #tpu.memory_space<vmem_shared>>
        tpu.enqueue_dma source(%arg13 : memref<128xf32, #tpu.memory_space<vmem>>) target(%dma_start3A_169 : memref<128xf32, #tpu.memory_space<vmem_shared>>) target_semaphore(%run_scoped3A : memref<!tpu.dma_semaphore, #tpu.memory_space<semaphore_mem>>)
        %dma_wait3A_170 = tpu.memref_slice %arg19[%mul3A_167] : memref<9216xf32, #tpu.memory_space<vmem_shared>> -> memref<128xf32, #tpu.memory_space<vmem_shared>>
        %dma_wait3A_171 = tpu.memref_slice %arg19[%mul3A_167] : memref<9216xf32, #tpu.memory_space<vmem_shared>> -> memref<128xf32, #tpu.memory_space<vmem_shared>>
        tpu.wait_dma2 semaphore(%run_scoped3A : memref<!tpu.dma_semaphore, #tpu.memory_space<semaphore_mem>>) src(%arg13 : memref<128xf32, #tpu.memory_space<vmem>>) dst(%dma_wait3A_171 : memref<128xf32, #tpu.memory_space<vmem_shared>>)
        tpu.yield
      }) : () -> ()
    } else {
    }
    %add3A_109 = arith.constant 64 : i32
    %add3A_110 = arith.addi %arg1, %add3A_109 : i32
    %lt3A_111 = arith.constant 72 : i32
    %lt3A_112 = arith.cmpi slt, %add3A_110, %lt3A_111 : i32
    %lt3A_113 = arith.constant 36 : i32
    %lt3A_114 = arith.cmpi slt, %add3A_110, %lt3A_113 : i32
    %and3A_115 = arith.andi %lt3A_112, %lt3A_114 : i1
    %convert_element_type3A_116 = arith.extui %and3A_115 : i1 to i32
    %cond3A_117 = arith.constant 0 : i32
    %cond3A_118 = arith.cmpi ne, %convert_element_type3A_116, %cond3A_117 : i32
    scf.if %cond3A_118 {
      %dma_start3A = arith.constant 0 : i32
      %dma_start3A_158 = tpu.memref_slice %arg11[%add3A_110, %dma_start3A] : memref<72x128xi32, #tpu.memory_space<vmem>> -> memref<1x128xi32, #tpu.memory_space<vmem>>
      %dma_start3A_159 = tpu.memref_squeeze %dma_start3A_158 : memref<1x128xi32, #tpu.memory_space<vmem>> -> memref<128xi32, #tpu.memory_space<vmem>>
      %dma_start3A_160 = arith.constant 0 : i32
      %dma_start3A_161 = tpu.memref_slice %arg3[%dma_start3A_160] : memref<3145728xf32, #tpu.memory_space<hbm>> -> memref<3145728xf32, #tpu.memory_space<hbm>>
      tpu.enqueue_indirect_dma source(%dma_start3A_161 : memref<3145728xf32, #tpu.memory_space<hbm>>) target(%arg13 : memref<128xf32, #tpu.memory_space<vmem>>) offsets(%dma_start3A_159 : memref<128xi32, #tpu.memory_space<vmem>>) semaphore(%arg23 : memref<!tpu.dma_semaphore, #tpu.memory_space<semaphore_mem>>)
      %dma_wait3A = arith.constant 0 : i32
      %dma_wait3A_162 = tpu.memref_slice %arg11[%add3A_110, %dma_wait3A] : memref<72x128xi32, #tpu.memory_space<vmem>> -> memref<1x128xi32, #tpu.memory_space<vmem>>
      %dma_wait3A_163 = tpu.memref_squeeze %dma_wait3A_162 : memref<1x128xi32, #tpu.memory_space<vmem>> -> memref<128xi32, #tpu.memory_space<vmem>>
      %dma_wait3A_164 = arith.constant 0 : i32
      %dma_wait3A_165 = tpu.memref_slice %arg3[%dma_wait3A_164] : memref<3145728xf32, #tpu.memory_space<hbm>> -> memref<3145728xf32, #tpu.memory_space<hbm>>
      tpu.wait_indirect_dma semaphore(%arg23 : memref<!tpu.dma_semaphore, #tpu.memory_space<semaphore_mem>>) src(%dma_wait3A_165 : memref<3145728xf32, #tpu.memory_space<hbm>>) dst(%arg13 : memref<128xf32, #tpu.memory_space<vmem>>)
      %mul3A_166 = arith.constant 128 : i32
      %mul3A_167 = arith.muli %add3A_110, %mul3A_166 : i32
      "tpu.region"() ({
        %run_scoped3A = tpu.sem_alloc : memref<!tpu.dma_semaphore, #tpu.memory_space<semaphore_mem>>
        %dma_start3A_168 = tpu.memref_slice %arg19[%mul3A_167] : memref<9216xf32, #tpu.memory_space<vmem_shared>> -> memref<128xf32, #tpu.memory_space<vmem_shared>>
        %dma_start3A_169 = tpu.memref_slice %arg19[%mul3A_167] : memref<9216xf32, #tpu.memory_space<vmem_shared>> -> memref<128xf32, #tpu.memory_space<vmem_shared>>
        tpu.enqueue_dma source(%arg13 : memref<128xf32, #tpu.memory_space<vmem>>) target(%dma_start3A_169 : memref<128xf32, #tpu.memory_space<vmem_shared>>) target_semaphore(%run_scoped3A : memref<!tpu.dma_semaphore, #tpu.memory_space<semaphore_mem>>)
        %dma_wait3A_170 = tpu.memref_slice %arg19[%mul3A_167] : memref<9216xf32, #tpu.memory_space<vmem_shared>> -> memref<128xf32, #tpu.memory_space<vmem_shared>>
        %dma_wait3A_171 = tpu.memref_slice %arg19[%mul3A_167] : memref<9216xf32, #tpu.memory_space<vmem_shared>> -> memref<128xf32, #tpu.memory_space<vmem_shared>>
        tpu.wait_dma2 semaphore(%run_scoped3A : memref<!tpu.dma_semaphore, #tpu.memory_space<semaphore_mem>>) src(%arg13 : memref<128xf32, #tpu.memory_space<vmem>>) dst(%dma_wait3A_171 : memref<128xf32, #tpu.memory_space<vmem_shared>>)
        tpu.yield
      }) : () -> ()
    } else {
    }
    %lt3A_119 = arith.constant 72 : i32
    %lt3A_120 = arith.cmpi slt, %add3A_110, %lt3A_119 : i32
    %ge3A_121 = arith.constant 36 : i32
    %ge3A_122 = arith.cmpi sge, %add3A_110, %ge3A_121 : i32
    %and3A_123 = arith.andi %lt3A_120, %ge3A_122 : i1
    %convert_element_type3A_124 = arith.extui %and3A_123 : i1 to i32
    %cond3A_125 = arith.constant 0 : i32
    %cond3A_126 = arith.cmpi ne, %convert_element_type3A_124, %cond3A_125 : i32
    scf.if %cond3A_126 {
      %dma_start3A = arith.constant 0 : i32
      %dma_start3A_158 = tpu.memref_slice %arg11[%add3A_110, %dma_start3A] : memref<72x128xi32, #tpu.memory_space<vmem>> -> memref<1x128xi32, #tpu.memory_space<vmem>>
      %dma_start3A_159 = tpu.memref_squeeze %dma_start3A_158 : memref<1x128xi32, #tpu.memory_space<vmem>> -> memref<128xi32, #tpu.memory_space<vmem>>
      %dma_start3A_160 = arith.constant 0 : i32
      %dma_start3A_161 = tpu.memref_slice %arg2[%dma_start3A_160] : memref<3145728xf32, #tpu.memory_space<hbm>> -> memref<3145728xf32, #tpu.memory_space<hbm>>
      tpu.enqueue_indirect_dma source(%dma_start3A_161 : memref<3145728xf32, #tpu.memory_space<hbm>>) target(%arg13 : memref<128xf32, #tpu.memory_space<vmem>>) offsets(%dma_start3A_159 : memref<128xi32, #tpu.memory_space<vmem>>) semaphore(%arg23 : memref<!tpu.dma_semaphore, #tpu.memory_space<semaphore_mem>>)
      %dma_wait3A = arith.constant 0 : i32
      %dma_wait3A_162 = tpu.memref_slice %arg11[%add3A_110, %dma_wait3A] : memref<72x128xi32, #tpu.memory_space<vmem>> -> memref<1x128xi32, #tpu.memory_space<vmem>>
      %dma_wait3A_163 = tpu.memref_squeeze %dma_wait3A_162 : memref<1x128xi32, #tpu.memory_space<vmem>> -> memref<128xi32, #tpu.memory_space<vmem>>
      %dma_wait3A_164 = arith.constant 0 : i32
      %dma_wait3A_165 = tpu.memref_slice %arg2[%dma_wait3A_164] : memref<3145728xf32, #tpu.memory_space<hbm>> -> memref<3145728xf32, #tpu.memory_space<hbm>>
      tpu.wait_indirect_dma semaphore(%arg23 : memref<!tpu.dma_semaphore, #tpu.memory_space<semaphore_mem>>) src(%dma_wait3A_165 : memref<3145728xf32, #tpu.memory_space<hbm>>) dst(%arg13 : memref<128xf32, #tpu.memory_space<vmem>>)
      %mul3A_166 = arith.constant 128 : i32
      %mul3A_167 = arith.muli %add3A_110, %mul3A_166 : i32
      "tpu.region"() ({
        %run_scoped3A = tpu.sem_alloc : memref<!tpu.dma_semaphore, #tpu.memory_space<semaphore_mem>>
        %dma_start3A_168 = tpu.memref_slice %arg19[%mul3A_167] : memref<9216xf32, #tpu.memory_space<vmem_shared>> -> memref<128xf32, #tpu.memory_space<vmem_shared>>
        %dma_start3A_169 = tpu.memref_slice %arg19[%mul3A_167] : memref<9216xf32, #tpu.memory_space<vmem_shared>> -> memref<128xf32, #tpu.memory_space<vmem_shared>>
        tpu.enqueue_dma source(%arg13 : memref<128xf32, #tpu.memory_space<vmem>>) target(%dma_start3A_169 : memref<128xf32, #tpu.memory_space<vmem_shared>>) target_semaphore(%run_scoped3A : memref<!tpu.dma_semaphore, #tpu.memory_space<semaphore_mem>>)
        %dma_wait3A_170 = tpu.memref_slice %arg19[%mul3A_167] : memref<9216xf32, #tpu.memory_space<vmem_shared>> -> memref<128xf32, #tpu.memory_space<vmem_shared>>
        %dma_wait3A_171 = tpu.memref_slice %arg19[%mul3A_167] : memref<9216xf32, #tpu.memory_space<vmem_shared>> -> memref<128xf32, #tpu.memory_space<vmem_shared>>
        tpu.wait_dma2 semaphore(%run_scoped3A : memref<!tpu.dma_semaphore, #tpu.memory_space<semaphore_mem>>) src(%arg13 : memref<128xf32, #tpu.memory_space<vmem>>) dst(%dma_wait3A_171 : memref<128xf32, #tpu.memory_space<vmem_shared>>)
        tpu.yield
      }) : () -> ()
    } else {
    }
    %barrier3A = arith.constant 0 : index
    tpu.barrier barrier_id(%barrier3A)
    "tpu.region"() ({
      %run_scoped3A = tpu.sem_alloc : memref<!tpu.dma_semaphore, #tpu.memory_space<semaphore_mem>>
      tpu.enqueue_dma source(%arg19 : memref<9216xf32, #tpu.memory_space<vmem_shared>>) target(%arg12 : memref<9216xf32, #tpu.memory_space<vmem>>) target_semaphore(%run_scoped3A : memref<!tpu.dma_semaphore, #tpu.memory_space<semaphore_mem>>)
      tpu.wait_dma2 semaphore(%run_scoped3A : memref<!tpu.dma_semaphore, #tpu.memory_space<semaphore_mem>>) src(%arg19 : memref<9216xf32, #tpu.memory_space<vmem_shared>>) dst(%arg12 : memref<9216xf32, #tpu.memory_space<vmem>>)
      tpu.yield
    }) : () -> ()
    %broadcast_in_dim3A_127 = arith.constant 0.000000e+00 : f32
    %broadcast_in_dim3A_128 = vector.broadcast %broadcast_in_dim3A_127 : f32 to vector<16xf32>
    %swap3A = arith.constant 0 : index
    %swap3A_129 = tpu.vector_load %arg16[%swap3A] {strides = array<i32>} : memref<16xf32, #tpu.memory_space<vmem>>, vector<16xf32>,
    tpu.vector_store %arg16[%swap3A], %broadcast_in_dim3A_128 {strides = array<i32>} : memref<16xf32, #tpu.memory_space<vmem>>, vector<16xf32>,
    %eq3A_130 = arith.constant 0 : i32
    %eq3A_131 = arith.cmpi eq, %arg0, %eq3A_130 : i32
    %lt3A_132 = arith.constant 12 : i32
    %lt3A_133 = arith.cmpi slt, %arg1, %lt3A_132 : i32
    %and3A_134 = arith.andi %eq3A_131, %lt3A_133 : i1
    %convert_element_type3A_135 = arith.extui %and3A_134 : i1 to i32
    %cond3A_136 = arith.constant 0 : i32
    %cond3A_137 = arith.cmpi ne, %convert_element_type3A_135, %cond3A_136 : i32
    scf.if %cond3A_137 {
      %broadcast_in_dim3A_158 = arith.constant 0.000000e+00 : f32
      %broadcast_in_dim3A_159 = vector.broadcast %broadcast_in_dim3A_158 : f32 to vector<16xf32>
      %add3A_160 = arith.constant 0 : i32
      %add3A_161 = vector.broadcast %add3A_160 : i32 to vector<16xi32>
      %add3A_162 = arith.addi %iota3A, %add3A_161 : vector<16xi32>
      %add3A_163 = arith.constant 12 : i32
      %add3A_164 = arith.addi %add3A_163, %arg1 : i32
      %mul3A_165 = arith.constant 384 : i32
      %mul3A_166 = arith.muli %add3A_164, %mul3A_165 : i32
      %add3A_167 = arith.constant 0 : i32
      %add3A_168 = arith.addi %mul3A_166, %add3A_167 : i32
      %get3A_169 = arith.index_cast %add3A_168 : i32 to index
      %get3A_170 = tpu.vector_load %arg12[%get3A_169] {strides = array<i32>} : memref<9216xf32, #tpu.memory_space<vmem>>, vector<16xf32>,
      %mul3A_171 = arith.constant 384 : i32
      %mul3A_172 = arith.muli %arg1, %mul3A_171 : i32
      %add3A_173 = arith.constant 0 : i32
      %add3A_174 = arith.addi %mul3A_172, %add3A_173 : i32
      %get3A_175 = arith.index_cast %add3A_174 : i32 to index
      %get3A_176 = tpu.vector_load %arg12[%get3A_175] {strides = array<i32>} : memref<9216xf32, #tpu.memory_space<vmem>>, vector<16xf32>,
      %sub3A = arith.subf %get3A_170, %get3A_176 : vector<16xf32>
      %lt3A_177 = arith.constant 300 : i32
      %lt3A_178 = vector.broadcast %lt3A_177 : i32 to vector<16xi32>
      %lt3A_179 = arith.cmpi slt, %add3A_162, %lt3A_178 : vector<16xi32>
      %mul3A_180 = arith.mulf %sub3A, %sub3A : vector<16xf32>
      %jit3A_181 = arith.constant 0.000000e+00 : f32
      %broadcast_in_dim3A_182 = vector.broadcast %jit3A_181 : f32 to vector<16xf32>
      %select_n3A_183 = arith.select %lt3A_179, %mul3A_180, %broadcast_in_dim3A_182 : vector<16xi1>, vector<16xf32>
      %add3A_184 = arith.addf %broadcast_in_dim3A_159, %select_n3A_183 : vector<16xf32>
      %add3A_185 = arith.constant 16 : i32
      %add3A_186 = vector.broadcast %add3A_185 : i32 to vector<16xi32>
      %add3A_187 = arith.addi %iota3A, %add3A_186 : vector<16xi32>
      %add3A_188 = arith.constant 12 : i32
      %add3A_189 = arith.addi %add3A_188, %arg1 : i32
      %mul3A_190 = arith.constant 384 : i32
      %mul3A_191 = arith.muli %add3A_189, %mul3A_190 : i32
      %add3A_192 = arith.constant 16 : i32
      %add3A_193 = arith.addi %mul3A_191, %add3A_192 : i32
      %get3A_194 = arith.index_cast %add3A_193 : i32 to index
      %get3A_195 = tpu.vector_load %arg12[%get3A_194] {strides = array<i32>} : memref<9216xf32, #tpu.memory_space<vmem>>, vector<16xf32>,
      %mul3A_196 = arith.constant 384 : i32
      %mul3A_197 = arith.muli %arg1, %mul3A_196 : i32
      %add3A_198 = arith.constant 16 : i32
      %add3A_199 = arith.addi %mul3A_197, %add3A_198 : i32
      %get3A_200 = arith.index_cast %add3A_199 : i32 to index
      %get3A_201 = tpu.vector_load %arg12[%get3A_200] {strides = array<i32>} : memref<9216xf32, #tpu.memory_space<vmem>>, vector<16xf32>,
      %sub3A_202 = arith.subf %get3A_195, %get3A_201 : vector<16xf32>
      %lt3A_203 = arith.constant 300 : i32
      %lt3A_204 = vector.broadcast %lt3A_203 : i32 to vector<16xi32>
      %lt3A_205 = arith.cmpi slt, %add3A_187, %lt3A_204 : vector<16xi32>
      %mul3A_206 = arith.mulf %sub3A_202, %sub3A_202 : vector<16xf32>
      %jit3A_207 = arith.constant 0.000000e+00 : f32
      %broadcast_in_dim3A_208 = vector.broadcast %jit3A_207 : f32 to vector<16xf32>
      %select_n3A_209 = arith.select %lt3A_205, %mul3A_206, %broadcast_in_dim3A_208 : vector<16xi1>, vector<16xf32>
      %add3A_210 = arith.addf %add3A_184, %select_n3A_209 : vector<16xf32>
      %add3A_211 = arith.constant 32 : i32
      %add3A_212 = vector.broadcast %add3A_211 : i32 to vector<16xi32>
      %add3A_213 = arith.addi %iota3A, %add3A_212 : vector<16xi32>
      %add3A_214 = arith.constant 12 : i32
      %add3A_215 = arith.addi %add3A_214, %arg1 : i32
      %mul3A_216 = arith.constant 384 : i32
      %mul3A_217 = arith.muli %add3A_215, %mul3A_216 : i32
      %add3A_218 = arith.constant 32 : i32
      %add3A_219 = arith.addi %mul3A_217, %add3A_218 : i32
      %get3A_220 = arith.index_cast %add3A_219 : i32 to index
      %get3A_221 = tpu.vector_load %arg12[%get3A_220] {strides = array<i32>} : memref<9216xf32, #tpu.memory_space<vmem>>, vector<16xf32>,
      %mul3A_222 = arith.constant 384 : i32
      %mul3A_223 = arith.muli %arg1, %mul3A_222 : i32
      %add3A_224 = arith.constant 32 : i32
      %add3A_225 = arith.addi %mul3A_223, %add3A_224 : i32
      %get3A_226 = arith.index_cast %add3A_225 : i32 to index
      %get3A_227 = tpu.vector_load %arg12[%get3A_226] {strides = array<i32>} : memref<9216xf32, #tpu.memory_space<vmem>>, vector<16xf32>,
      %sub3A_228 = arith.subf %get3A_221, %get3A_227 : vector<16xf32>
      %lt3A_229 = arith.constant 300 : i32
      %lt3A_230 = vector.broadcast %lt3A_229 : i32 to vector<16xi32>
      %lt3A_231 = arith.cmpi slt, %add3A_213, %lt3A_230 : vector<16xi32>
      %mul3A_232 = arith.mulf %sub3A_228, %sub3A_228 : vector<16xf32>
      %jit3A_233 = arith.constant 0.000000e+00 : f32
      %broadcast_in_dim3A_234 = vector.broadcast %jit3A_233 : f32 to vector<16xf32>
      %select_n3A_235 = arith.select %lt3A_231, %mul3A_232, %broadcast_in_dim3A_234 : vector<16xi1>, vector<16xf32>
      %add3A_236 = arith.addf %add3A_210, %select_n3A_235 : vector<16xf32>
      %add3A_237 = arith.constant 48 : i32
      %add3A_238 = vector.broadcast %add3A_237 : i32 to vector<16xi32>
      %add3A_239 = arith.addi %iota3A, %add3A_238 : vector<16xi32>
      %add3A_240 = arith.constant 12 : i32
      %add3A_241 = arith.addi %add3A_240, %arg1 : i32
      %mul3A_242 = arith.constant 384 : i32
      %mul3A_243 = arith.muli %add3A_241, %mul3A_242 : i32
      %add3A_244 = arith.constant 48 : i32
      %add3A_245 = arith.addi %mul3A_243, %add3A_244 : i32
      %get3A_246 = arith.index_cast %add3A_245 : i32 to index
      %get3A_247 = tpu.vector_load %arg12[%get3A_246] {strides = array<i32>} : memref<9216xf32, #tpu.memory_space<vmem>>, vector<16xf32>,
      %mul3A_248 = arith.constant 384 : i32
      %mul3A_249 = arith.muli %arg1, %mul3A_248 : i32
      %add3A_250 = arith.constant 48 : i32
      %add3A_251 = arith.addi %mul3A_249, %add3A_250 : i32
      %get3A_252 = arith.index_cast %add3A_251 : i32 to index
      %get3A_253 = tpu.vector_load %arg12[%get3A_252] {strides = array<i32>} : memref<9216xf32, #tpu.memory_space<vmem>>, vector<16xf32>,
      %sub3A_254 = arith.subf %get3A_247, %get3A_253 : vector<16xf32>
      %lt3A_255 = arith.constant 300 : i32
      %lt3A_256 = vector.broadcast %lt3A_255 : i32 to vector<16xi32>
      %lt3A_257 = arith.cmpi slt, %add3A_239, %lt3A_256 : vector<16xi32>
      %mul3A_258 = arith.mulf %sub3A_254, %sub3A_254 : vector<16xf32>
      %jit3A_259 = arith.constant 0.000000e+00 : f32
      %broadcast_in_dim3A_260 = vector.broadcast %jit3A_259 : f32 to vector<16xf32>
      %select_n3A_261 = arith.select %lt3A_257, %mul3A_258, %broadcast_in_dim3A_260 : vector<16xi1>, vector<16xf32>
      %add3A_262 = arith.addf %add3A_236, %select_n3A_261 : vector<16xf32>
      %add3A_263 = arith.constant 64 : i32
      %add3A_264 = vector.broadcast %add3A_263 : i32 to vector<16xi32>
      %add3A_265 = arith.addi %iota3A, %add3A_264 : vector<16xi32>
      %add3A_266 = arith.constant 12 : i32
      %add3A_267 = arith.addi %add3A_266, %arg1 : i32
      %mul3A_268 = arith.constant 384 : i32
      %mul3A_269 = arith.muli %add3A_267, %mul3A_268 : i32
      %add3A_270 = arith.constant 64 : i32
      %add3A_271 = arith.addi %mul3A_269, %add3A_270 : i32
      %get3A_272 = arith.index_cast %add3A_271 : i32 to index
      %get3A_273 = tpu.vector_load %arg12[%get3A_272] {strides = array<i32>} : memref<9216xf32, #tpu.memory_space<vmem>>, vector<16xf32>,
      %mul3A_274 = arith.constant 384 : i32
      %mul3A_275 = arith.muli %arg1, %mul3A_274 : i32
      %add3A_276 = arith.constant 64 : i32
      %add3A_277 = arith.addi %mul3A_275, %add3A_276 : i32
      %get3A_278 = arith.index_cast %add3A_277 : i32 to index
      %get3A_279 = tpu.vector_load %arg12[%get3A_278] {strides = array<i32>} : memref<9216xf32, #tpu.memory_space<vmem>>, vector<16xf32>,
      %sub3A_280 = arith.subf %get3A_273, %get3A_279 : vector<16xf32>
      %lt3A_281 = arith.constant 300 : i32
      %lt3A_282 = vector.broadcast %lt3A_281 : i32 to vector<16xi32>
      %lt3A_283 = arith.cmpi slt, %add3A_265, %lt3A_282 : vector<16xi32>
      %mul3A_284 = arith.mulf %sub3A_280, %sub3A_280 : vector<16xf32>
      %jit3A_285 = arith.constant 0.000000e+00 : f32
      %broadcast_in_dim3A_286 = vector.broadcast %jit3A_285 : f32 to vector<16xf32>
      %select_n3A_287 = arith.select %lt3A_283, %mul3A_284, %broadcast_in_dim3A_286 : vector<16xi1>, vector<16xf32>
      %add3A_288 = arith.addf %add3A_262, %select_n3A_287 : vector<16xf32>
      %add3A_289 = arith.constant 80 : i32
      %add3A_290 = vector.broadcast %add3A_289 : i32 to vector<16xi32>
      %add3A_291 = arith.addi %iota3A, %add3A_290 : vector<16xi32>
      %add3A_292 = arith.constant 12 : i32
      %add3A_293 = arith.addi %add3A_292, %arg1 : i32
      %mul3A_294 = arith.constant 384 : i32
      %mul3A_295 = arith.muli %add3A_293, %mul3A_294 : i32
      %add3A_296 = arith.constant 80 : i32
      %add3A_297 = arith.addi %mul3A_295, %add3A_296 : i32
      %get3A_298 = arith.index_cast %add3A_297 : i32 to index
      %get3A_299 = tpu.vector_load %arg12[%get3A_298] {strides = array<i32>} : memref<9216xf32, #tpu.memory_space<vmem>>, vector<16xf32>,
      %mul3A_300 = arith.constant 384 : i32
      %mul3A_301 = arith.muli %arg1, %mul3A_300 : i32
      %add3A_302 = arith.constant 80 : i32
      %add3A_303 = arith.addi %mul3A_301, %add3A_302 : i32
      %get3A_304 = arith.index_cast %add3A_303 : i32 to index
      %get3A_305 = tpu.vector_load %arg12[%get3A_304] {strides = array<i32>} : memref<9216xf32, #tpu.memory_space<vmem>>, vector<16xf32>,
      %sub3A_306 = arith.subf %get3A_299, %get3A_305 : vector<16xf32>
      %lt3A_307 = arith.constant 300 : i32
      %lt3A_308 = vector.broadcast %lt3A_307 : i32 to vector<16xi32>
      %lt3A_309 = arith.cmpi slt, %add3A_291, %lt3A_308 : vector<16xi32>
      %mul3A_310 = arith.mulf %sub3A_306, %sub3A_306 : vector<16xf32>
      %jit3A_311 = arith.constant 0.000000e+00 : f32
      %broadcast_in_dim3A_312 = vector.broadcast %jit3A_311 : f32 to vector<16xf32>
      %select_n3A_313 = arith.select %lt3A_309, %mul3A_310, %broadcast_in_dim3A_312 : vector<16xi1>, vector<16xf32>
      %add3A_314 = arith.addf %add3A_288, %select_n3A_313 : vector<16xf32>
      %add3A_315 = arith.constant 96 : i32
      %add3A_316 = vector.broadcast %add3A_315 : i32 to vector<16xi32>
      %add3A_317 = arith.addi %iota3A, %add3A_316 : vector<16xi32>
      %add3A_318 = arith.constant 12 : i32
      %add3A_319 = arith.addi %add3A_318, %arg1 : i32
      %mul3A_320 = arith.constant 384 : i32
      %mul3A_321 = arith.muli %add3A_319, %mul3A_320 : i32
      %add3A_322 = arith.constant 96 : i32
      %add3A_323 = arith.addi %mul3A_321, %add3A_322 : i32
      %get3A_324 = arith.index_cast %add3A_323 : i32 to index
      %get3A_325 = tpu.vector_load %arg12[%get3A_324] {strides = array<i32>} : memref<9216xf32, #tpu.memory_space<vmem>>, vector<16xf32>,
      %mul3A_326 = arith.constant 384 : i32
      %mul3A_327 = arith.muli %arg1, %mul3A_326 : i32
      %add3A_328 = arith.constant 96 : i32
      %add3A_329 = arith.addi %mul3A_327, %add3A_328 : i32
      %get3A_330 = arith.index_cast %add3A_329 : i32 to index
      %get3A_331 = tpu.vector_load %arg12[%get3A_330] {strides = array<i32>} : memref<9216xf32, #tpu.memory_space<vmem>>, vector<16xf32>,
      %sub3A_332 = arith.subf %get3A_325, %get3A_331 : vector<16xf32>
      %lt3A_333 = arith.constant 300 : i32
      %lt3A_334 = vector.broadcast %lt3A_333 : i32 to vector<16xi32>
      %lt3A_335 = arith.cmpi slt, %add3A_317, %lt3A_334 : vector<16xi32>
      %mul3A_336 = arith.mulf %sub3A_332, %sub3A_332 : vector<16xf32>
      %jit3A_337 = arith.constant 0.000000e+00 : f32
      %broadcast_in_dim3A_338 = vector.broadcast %jit3A_337 : f32 to vector<16xf32>
      %select_n3A_339 = arith.select %lt3A_335, %mul3A_336, %broadcast_in_dim3A_338 : vector<16xi1>, vector<16xf32>
      %add3A_340 = arith.addf %add3A_314, %select_n3A_339 : vector<16xf32>
      %add3A_341 = arith.constant 112 : i32
      %add3A_342 = vector.broadcast %add3A_341 : i32 to vector<16xi32>
      %add3A_343 = arith.addi %iota3A, %add3A_342 : vector<16xi32>
      %add3A_344 = arith.constant 12 : i32
      %add3A_345 = arith.addi %add3A_344, %arg1 : i32
      %mul3A_346 = arith.constant 384 : i32
      %mul3A_347 = arith.muli %add3A_345, %mul3A_346 : i32
      %add3A_348 = arith.constant 112 : i32
      %add3A_349 = arith.addi %mul3A_347, %add3A_348 : i32
      %get3A_350 = arith.index_cast %add3A_349 : i32 to index
      %get3A_351 = tpu.vector_load %arg12[%get3A_350] {strides = array<i32>} : memref<9216xf32, #tpu.memory_space<vmem>>, vector<16xf32>,
      %mul3A_352 = arith.constant 384 : i32
      %mul3A_353 = arith.muli %arg1, %mul3A_352 : i32
      %add3A_354 = arith.constant 112 : i32
      %add3A_355 = arith.addi %mul3A_353, %add3A_354 : i32
      %get3A_356 = arith.index_cast %add3A_355 : i32 to index
      %get3A_357 = tpu.vector_load %arg12[%get3A_356] {strides = array<i32>} : memref<9216xf32, #tpu.memory_space<vmem>>, vector<16xf32>,
      %sub3A_358 = arith.subf %get3A_351, %get3A_357 : vector<16xf32>
      %lt3A_359 = arith.constant 300 : i32
      %lt3A_360 = vector.broadcast %lt3A_359 : i32 to vector<16xi32>
      %lt3A_361 = arith.cmpi slt, %add3A_343, %lt3A_360 : vector<16xi32>
      %mul3A_362 = arith.mulf %sub3A_358, %sub3A_358 : vector<16xf32>
      %jit3A_363 = arith.constant 0.000000e+00 : f32
      %broadcast_in_dim3A_364 = vector.broadcast %jit3A_363 : f32 to vector<16xf32>
      %select_n3A_365 = arith.select %lt3A_361, %mul3A_362, %broadcast_in_dim3A_364 : vector<16xi1>, vector<16xf32>
      %add3A_366 = arith.addf %add3A_340, %select_n3A_365 : vector<16xf32>
      %add3A_367 = arith.constant 128 : i32
      %add3A_368 = vector.broadcast %add3A_367 : i32 to vector<16xi32>
      %add3A_369 = arith.addi %iota3A, %add3A_368 : vector<16xi32>
      %add3A_370 = arith.constant 12 : i32
      %add3A_371 = arith.addi %add3A_370, %arg1 : i32
      %mul3A_372 = arith.constant 384 : i32
      %mul3A_373 = arith.muli %add3A_371, %mul3A_372 : i32
      %add3A_374 = arith.constant 128 : i32
      %add3A_375 = arith.addi %mul3A_373, %add3A_374 : i32
      %get3A_376 = arith.index_cast %add3A_375 : i32 to index
      %get3A_377 = tpu.vector_load %arg12[%get3A_376] {strides = array<i32>} : memref<9216xf32, #tpu.memory_space<vmem>>, vector<16xf32>,
      %mul3A_378 = arith.constant 384 : i32
      %mul3A_379 = arith.muli %arg1, %mul3A_378 : i32
      %add3A_380 = arith.constant 128 : i32
      %add3A_381 = arith.addi %mul3A_379, %add3A_380 : i32
      %get3A_382 = arith.index_cast %add3A_381 : i32 to index
      %get3A_383 = tpu.vector_load %arg12[%get3A_382] {strides = array<i32>} : memref<9216xf32, #tpu.memory_space<vmem>>, vector<16xf32>,
      %sub3A_384 = arith.subf %get3A_377, %get3A_383 : vector<16xf32>
      %lt3A_385 = arith.constant 300 : i32
      %lt3A_386 = vector.broadcast %lt3A_385 : i32 to vector<16xi32>
      %lt3A_387 = arith.cmpi slt, %add3A_369, %lt3A_386 : vector<16xi32>
      %mul3A_388 = arith.mulf %sub3A_384, %sub3A_384 : vector<16xf32>
      %jit3A_389 = arith.constant 0.000000e+00 : f32
      %broadcast_in_dim3A_390 = vector.broadcast %jit3A_389 : f32 to vector<16xf32>
      %select_n3A_391 = arith.select %lt3A_387, %mul3A_388, %broadcast_in_dim3A_390 : vector<16xi1>, vector<16xf32>
      %add3A_392 = arith.addf %add3A_366, %select_n3A_391 : vector<16xf32>
      %add3A_393 = arith.constant 144 : i32
      %add3A_394 = vector.broadcast %add3A_393 : i32 to vector<16xi32>
      %add3A_395 = arith.addi %iota3A, %add3A_394 : vector<16xi32>
      %add3A_396 = arith.constant 12 : i32
      %add3A_397 = arith.addi %add3A_396, %arg1 : i32
      %mul3A_398 = arith.constant 384 : i32
      %mul3A_399 = arith.muli %add3A_397, %mul3A_398 : i32
      %add3A_400 = arith.constant 144 : i32
      %add3A_401 = arith.addi %mul3A_399, %add3A_400 : i32
      %get3A_402 = arith.index_cast %add3A_401 : i32 to index
      %get3A_403 = tpu.vector_load %arg12[%get3A_402] {strides = array<i32>} : memref<9216xf32, #tpu.memory_space<vmem>>, vector<16xf32>,
      %mul3A_404 = arith.constant 384 : i32
      %mul3A_405 = arith.muli %arg1, %mul3A_404 : i32
      %add3A_406 = arith.constant 144 : i32
      %add3A_407 = arith.addi %mul3A_405, %add3A_406 : i32
      %get3A_408 = arith.index_cast %add3A_407 : i32 to index
      %get3A_409 = tpu.vector_load %arg12[%get3A_408] {strides = array<i32>} : memref<9216xf32, #tpu.memory_space<vmem>>, vector<16xf32>,
      %sub3A_410 = arith.subf %get3A_403, %get3A_409 : vector<16xf32>
      %lt3A_411 = arith.constant 300 : i32
      %lt3A_412 = vector.broadcast %lt3A_411 : i32 to vector<16xi32>
      %lt3A_413 = arith.cmpi slt, %add3A_395, %lt3A_412 : vector<16xi32>
      %mul3A_414 = arith.mulf %sub3A_410, %sub3A_410 : vector<16xf32>
      %jit3A_415 = arith.constant 0.000000e+00 : f32
      %broadcast_in_dim3A_416 = vector.broadcast %jit3A_415 : f32 to vector<16xf32>
      %select_n3A_417 = arith.select %lt3A_413, %mul3A_414, %broadcast_in_dim3A_416 : vector<16xi1>, vector<16xf32>
      %add3A_418 = arith.addf %add3A_392, %select_n3A_417 : vector<16xf32>
      %add3A_419 = arith.constant 160 : i32
      %add3A_420 = vector.broadcast %add3A_419 : i32 to vector<16xi32>
      %add3A_421 = arith.addi %iota3A, %add3A_420 : vector<16xi32>
      %add3A_422 = arith.constant 12 : i32
      %add3A_423 = arith.addi %add3A_422, %arg1 : i32
      %mul3A_424 = arith.constant 384 : i32
      %mul3A_425 = arith.muli %add3A_423, %mul3A_424 : i32
      %add3A_426 = arith.constant 160 : i32
      %add3A_427 = arith.addi %mul3A_425, %add3A_426 : i32
      %get3A_428 = arith.index_cast %add3A_427 : i32 to index
      %get3A_429 = tpu.vector_load %arg12[%get3A_428] {strides = array<i32>} : memref<9216xf32, #tpu.memory_space<vmem>>, vector<16xf32>,
      %mul3A_430 = arith.constant 384 : i32
      %mul3A_431 = arith.muli %arg1, %mul3A_430 : i32
      %add3A_432 = arith.constant 160 : i32
      %add3A_433 = arith.addi %mul3A_431, %add3A_432 : i32
      %get3A_434 = arith.index_cast %add3A_433 : i32 to index
      %get3A_435 = tpu.vector_load %arg12[%get3A_434] {strides = array<i32>} : memref<9216xf32, #tpu.memory_space<vmem>>, vector<16xf32>,
      %sub3A_436 = arith.subf %get3A_429, %get3A_435 : vector<16xf32>
      %lt3A_437 = arith.constant 300 : i32
      %lt3A_438 = vector.broadcast %lt3A_437 : i32 to vector<16xi32>
      %lt3A_439 = arith.cmpi slt, %add3A_421, %lt3A_438 : vector<16xi32>
      %mul3A_440 = arith.mulf %sub3A_436, %sub3A_436 : vector<16xf32>
      %jit3A_441 = arith.constant 0.000000e+00 : f32
      %broadcast_in_dim3A_442 = vector.broadcast %jit3A_441 : f32 to vector<16xf32>
      %select_n3A_443 = arith.select %lt3A_439, %mul3A_440, %broadcast_in_dim3A_442 : vector<16xi1>, vector<16xf32>
      %add3A_444 = arith.addf %add3A_418, %select_n3A_443 : vector<16xf32>
      %add3A_445 = arith.constant 176 : i32
      %add3A_446 = vector.broadcast %add3A_445 : i32 to vector<16xi32>
      %add3A_447 = arith.addi %iota3A, %add3A_446 : vector<16xi32>
      %add3A_448 = arith.constant 12 : i32
      %add3A_449 = arith.addi %add3A_448, %arg1 : i32
      %mul3A_450 = arith.constant 384 : i32
      %mul3A_451 = arith.muli %add3A_449, %mul3A_450 : i32
      %add3A_452 = arith.constant 176 : i32
      %add3A_453 = arith.addi %mul3A_451, %add3A_452 : i32
      %get3A_454 = arith.index_cast %add3A_453 : i32 to index
      %get3A_455 = tpu.vector_load %arg12[%get3A_454] {strides = array<i32>} : memref<9216xf32, #tpu.memory_space<vmem>>, vector<16xf32>,
      %mul3A_456 = arith.constant 384 : i32
      %mul3A_457 = arith.muli %arg1, %mul3A_456 : i32
      %add3A_458 = arith.constant 176 : i32
      %add3A_459 = arith.addi %mul3A_457, %add3A_458 : i32
      %get3A_460 = arith.index_cast %add3A_459 : i32 to index
      %get3A_461 = tpu.vector_load %arg12[%get3A_460] {strides = array<i32>} : memref<9216xf32, #tpu.memory_space<vmem>>, vector<16xf32>,
      %sub3A_462 = arith.subf %get3A_455, %get3A_461 : vector<16xf32>
      %lt3A_463 = arith.constant 300 : i32
      %lt3A_464 = vector.broadcast %lt3A_463 : i32 to vector<16xi32>
      %lt3A_465 = arith.cmpi slt, %add3A_447, %lt3A_464 : vector<16xi32>
      %mul3A_466 = arith.mulf %sub3A_462, %sub3A_462 : vector<16xf32>
      %jit3A_467 = arith.constant 0.000000e+00 : f32
      %broadcast_in_dim3A_468 = vector.broadcast %jit3A_467 : f32 to vector<16xf32>
      %select_n3A_469 = arith.select %lt3A_465, %mul3A_466, %broadcast_in_dim3A_468 : vector<16xi1>, vector<16xf32>
      %add3A_470 = arith.addf %add3A_444, %select_n3A_469 : vector<16xf32>
      %add3A_471 = arith.constant 192 : i32
      %add3A_472 = vector.broadcast %add3A_471 : i32 to vector<16xi32>
      %add3A_473 = arith.addi %iota3A, %add3A_472 : vector<16xi32>
      %add3A_474 = arith.constant 12 : i32
      %add3A_475 = arith.addi %add3A_474, %arg1 : i32
      %mul3A_476 = arith.constant 384 : i32
      %mul3A_477 = arith.muli %add3A_475, %mul3A_476 : i32
      %add3A_478 = arith.constant 192 : i32
      %add3A_479 = arith.addi %mul3A_477, %add3A_478 : i32
      %get3A_480 = arith.index_cast %add3A_479 : i32 to index
      %get3A_481 = tpu.vector_load %arg12[%get3A_480] {strides = array<i32>} : memref<9216xf32, #tpu.memory_space<vmem>>, vector<16xf32>,
      %mul3A_482 = arith.constant 384 : i32
      %mul3A_483 = arith.muli %arg1, %mul3A_482 : i32
      %add3A_484 = arith.constant 192 : i32
      %add3A_485 = arith.addi %mul3A_483, %add3A_484 : i32
      %get3A_486 = arith.index_cast %add3A_485 : i32 to index
      %get3A_487 = tpu.vector_load %arg12[%get3A_486] {strides = array<i32>} : memref<9216xf32, #tpu.memory_space<vmem>>, vector<16xf32>,
      %sub3A_488 = arith.subf %get3A_481, %get3A_487 : vector<16xf32>
      %lt3A_489 = arith.constant 300 : i32
      %lt3A_490 = vector.broadcast %lt3A_489 : i32 to vector<16xi32>
      %lt3A_491 = arith.cmpi slt, %add3A_473, %lt3A_490 : vector<16xi32>
      %mul3A_492 = arith.mulf %sub3A_488, %sub3A_488 : vector<16xf32>
      %jit3A_493 = arith.constant 0.000000e+00 : f32
      %broadcast_in_dim3A_494 = vector.broadcast %jit3A_493 : f32 to vector<16xf32>
      %select_n3A_495 = arith.select %lt3A_491, %mul3A_492, %broadcast_in_dim3A_494 : vector<16xi1>, vector<16xf32>
      %add3A_496 = arith.addf %add3A_470, %select_n3A_495 : vector<16xf32>
      %add3A_497 = arith.constant 208 : i32
      %add3A_498 = vector.broadcast %add3A_497 : i32 to vector<16xi32>
      %add3A_499 = arith.addi %iota3A, %add3A_498 : vector<16xi32>
      %add3A_500 = arith.constant 12 : i32
      %add3A_501 = arith.addi %add3A_500, %arg1 : i32
      %mul3A_502 = arith.constant 384 : i32
      %mul3A_503 = arith.muli %add3A_501, %mul3A_502 : i32
      %add3A_504 = arith.constant 208 : i32
      %add3A_505 = arith.addi %mul3A_503, %add3A_504 : i32
      %get3A_506 = arith.index_cast %add3A_505 : i32 to index
      %get3A_507 = tpu.vector_load %arg12[%get3A_506] {strides = array<i32>} : memref<9216xf32, #tpu.memory_space<vmem>>, vector<16xf32>,
      %mul3A_508 = arith.constant 384 : i32
      %mul3A_509 = arith.muli %arg1, %mul3A_508 : i32
      %add3A_510 = arith.constant 208 : i32
      %add3A_511 = arith.addi %mul3A_509, %add3A_510 : i32
      %get3A_512 = arith.index_cast %add3A_511 : i32 to index
      %get3A_513 = tpu.vector_load %arg12[%get3A_512] {strides = array<i32>} : memref<9216xf32, #tpu.memory_space<vmem>>, vector<16xf32>,
      %sub3A_514 = arith.subf %get3A_507, %get3A_513 : vector<16xf32>
      %lt3A_515 = arith.constant 300 : i32
      %lt3A_516 = vector.broadcast %lt3A_515 : i32 to vector<16xi32>
      %lt3A_517 = arith.cmpi slt, %add3A_499, %lt3A_516 : vector<16xi32>
      %mul3A_518 = arith.mulf %sub3A_514, %sub3A_514 : vector<16xf32>
      %jit3A_519 = arith.constant 0.000000e+00 : f32
      %broadcast_in_dim3A_520 = vector.broadcast %jit3A_519 : f32 to vector<16xf32>
      %select_n3A_521 = arith.select %lt3A_517, %mul3A_518, %broadcast_in_dim3A_520 : vector<16xi1>, vector<16xf32>
      %add3A_522 = arith.addf %add3A_496, %select_n3A_521 : vector<16xf32>
      %add3A_523 = arith.constant 224 : i32
      %add3A_524 = vector.broadcast %add3A_523 : i32 to vector<16xi32>
      %add3A_525 = arith.addi %iota3A, %add3A_524 : vector<16xi32>
      %add3A_526 = arith.constant 12 : i32
      %add3A_527 = arith.addi %add3A_526, %arg1 : i32
      %mul3A_528 = arith.constant 384 : i32
      %mul3A_529 = arith.muli %add3A_527, %mul3A_528 : i32
      %add3A_530 = arith.constant 224 : i32
      %add3A_531 = arith.addi %mul3A_529, %add3A_530 : i32
      %get3A_532 = arith.index_cast %add3A_531 : i32 to index
      %get3A_533 = tpu.vector_load %arg12[%get3A_532] {strides = array<i32>} : memref<9216xf32, #tpu.memory_space<vmem>>, vector<16xf32>,
      %mul3A_534 = arith.constant 384 : i32
      %mul3A_535 = arith.muli %arg1, %mul3A_534 : i32
      %add3A_536 = arith.constant 224 : i32
      %add3A_537 = arith.addi %mul3A_535, %add3A_536 : i32
      %get3A_538 = arith.index_cast %add3A_537 : i32 to index
      %get3A_539 = tpu.vector_load %arg12[%get3A_538] {strides = array<i32>} : memref<9216xf32, #tpu.memory_space<vmem>>, vector<16xf32>,
      %sub3A_540 = arith.subf %get3A_533, %get3A_539 : vector<16xf32>
      %lt3A_541 = arith.constant 300 : i32
      %lt3A_542 = vector.broadcast %lt3A_541 : i32 to vector<16xi32>
      %lt3A_543 = arith.cmpi slt, %add3A_525, %lt3A_542 : vector<16xi32>
      %mul3A_544 = arith.mulf %sub3A_540, %sub3A_540 : vector<16xf32>
      %jit3A_545 = arith.constant 0.000000e+00 : f32
      %broadcast_in_dim3A_546 = vector.broadcast %jit3A_545 : f32 to vector<16xf32>
      %select_n3A_547 = arith.select %lt3A_543, %mul3A_544, %broadcast_in_dim3A_546 : vector<16xi1>, vector<16xf32>
      %add3A_548 = arith.addf %add3A_522, %select_n3A_547 : vector<16xf32>
      %add3A_549 = arith.constant 240 : i32
      %add3A_550 = vector.broadcast %add3A_549 : i32 to vector<16xi32>
      %add3A_551 = arith.addi %iota3A, %add3A_550 : vector<16xi32>
      %add3A_552 = arith.constant 12 : i32
      %add3A_553 = arith.addi %add3A_552, %arg1 : i32
      %mul3A_554 = arith.constant 384 : i32
      %mul3A_555 = arith.muli %add3A_553, %mul3A_554 : i32
      %add3A_556 = arith.constant 240 : i32
      %add3A_557 = arith.addi %mul3A_555, %add3A_556 : i32
      %get3A_558 = arith.index_cast %add3A_557 : i32 to index
      %get3A_559 = tpu.vector_load %arg12[%get3A_558] {strides = array<i32>} : memref<9216xf32, #tpu.memory_space<vmem>>, vector<16xf32>,
      %mul3A_560 = arith.constant 384 : i32
      %mul3A_561 = arith.muli %arg1, %mul3A_560 : i32
      %add3A_562 = arith.constant 240 : i32
      %add3A_563 = arith.addi %mul3A_561, %add3A_562 : i32
      %get3A_564 = arith.index_cast %add3A_563 : i32 to index
      %get3A_565 = tpu.vector_load %arg12[%get3A_564] {strides = array<i32>} : memref<9216xf32, #tpu.memory_space<vmem>>, vector<16xf32>,
      %sub3A_566 = arith.subf %get3A_559, %get3A_565 : vector<16xf32>
      %lt3A_567 = arith.constant 300 : i32
      %lt3A_568 = vector.broadcast %lt3A_567 : i32 to vector<16xi32>
      %lt3A_569 = arith.cmpi slt, %add3A_551, %lt3A_568 : vector<16xi32>
      %mul3A_570 = arith.mulf %sub3A_566, %sub3A_566 : vector<16xf32>
      %jit3A_571 = arith.constant 0.000000e+00 : f32
      %broadcast_in_dim3A_572 = vector.broadcast %jit3A_571 : f32 to vector<16xf32>
      %select_n3A_573 = arith.select %lt3A_569, %mul3A_570, %broadcast_in_dim3A_572 : vector<16xi1>, vector<16xf32>
      %add3A_574 = arith.addf %add3A_548, %select_n3A_573 : vector<16xf32>
      %add3A_575 = arith.constant 256 : i32
      %add3A_576 = vector.broadcast %add3A_575 : i32 to vector<16xi32>
      %add3A_577 = arith.addi %iota3A, %add3A_576 : vector<16xi32>
      %add3A_578 = arith.constant 12 : i32
      %add3A_579 = arith.addi %add3A_578, %arg1 : i32
      %mul3A_580 = arith.constant 384 : i32
      %mul3A_581 = arith.muli %add3A_579, %mul3A_580 : i32
      %add3A_582 = arith.constant 256 : i32
      %add3A_583 = arith.addi %mul3A_581, %add3A_582 : i32
      %get3A_584 = arith.index_cast %add3A_583 : i32 to index
      %get3A_585 = tpu.vector_load %arg12[%get3A_584] {strides = array<i32>} : memref<9216xf32, #tpu.memory_space<vmem>>, vector<16xf32>,
      %mul3A_586 = arith.constant 384 : i32
      %mul3A_587 = arith.muli %arg1, %mul3A_586 : i32
      %add3A_588 = arith.constant 256 : i32
      %add3A_589 = arith.addi %mul3A_587, %add3A_588 : i32
      %get3A_590 = arith.index_cast %add3A_589 : i32 to index
      %get3A_591 = tpu.vector_load %arg12[%get3A_590] {strides = array<i32>} : memref<9216xf32, #tpu.memory_space<vmem>>, vector<16xf32>,
      %sub3A_592 = arith.subf %get3A_585, %get3A_591 : vector<16xf32>
      %lt3A_593 = arith.constant 300 : i32
      %lt3A_594 = vector.broadcast %lt3A_593 : i32 to vector<16xi32>
      %lt3A_595 = arith.cmpi slt, %add3A_577, %lt3A_594 : vector<16xi32>
      %mul3A_596 = arith.mulf %sub3A_592, %sub3A_592 : vector<16xf32>
      %jit3A_597 = arith.constant 0.000000e+00 : f32
      %broadcast_in_dim3A_598 = vector.broadcast %jit3A_597 : f32 to vector<16xf32>
      %select_n3A_599 = arith.select %lt3A_595, %mul3A_596, %broadcast_in_dim3A_598 : vector<16xi1>, vector<16xf32>
      %add3A_600 = arith.addf %add3A_574, %select_n3A_599 : vector<16xf32>
      %add3A_601 = arith.constant 272 : i32
      %add3A_602 = vector.broadcast %add3A_601 : i32 to vector<16xi32>
      %add3A_603 = arith.addi %iota3A, %add3A_602 : vector<16xi32>
      %add3A_604 = arith.constant 12 : i32
      %add3A_605 = arith.addi %add3A_604, %arg1 : i32
      %mul3A_606 = arith.constant 384 : i32
      %mul3A_607 = arith.muli %add3A_605, %mul3A_606 : i32
      %add3A_608 = arith.constant 272 : i32
      %add3A_609 = arith.addi %mul3A_607, %add3A_608 : i32
      %get3A_610 = arith.index_cast %add3A_609 : i32 to index
      %get3A_611 = tpu.vector_load %arg12[%get3A_610] {strides = array<i32>} : memref<9216xf32, #tpu.memory_space<vmem>>, vector<16xf32>,
      %mul3A_612 = arith.constant 384 : i32
      %mul3A_613 = arith.muli %arg1, %mul3A_612 : i32
      %add3A_614 = arith.constant 272 : i32
      %add3A_615 = arith.addi %mul3A_613, %add3A_614 : i32
      %get3A_616 = arith.index_cast %add3A_615 : i32 to index
      %get3A_617 = tpu.vector_load %arg12[%get3A_616] {strides = array<i32>} : memref<9216xf32, #tpu.memory_space<vmem>>, vector<16xf32>,
      %sub3A_618 = arith.subf %get3A_611, %get3A_617 : vector<16xf32>
      %lt3A_619 = arith.constant 300 : i32
      %lt3A_620 = vector.broadcast %lt3A_619 : i32 to vector<16xi32>
      %lt3A_621 = arith.cmpi slt, %add3A_603, %lt3A_620 : vector<16xi32>
      %mul3A_622 = arith.mulf %sub3A_618, %sub3A_618 : vector<16xf32>
      %jit3A_623 = arith.constant 0.000000e+00 : f32
      %broadcast_in_dim3A_624 = vector.broadcast %jit3A_623 : f32 to vector<16xf32>
      %select_n3A_625 = arith.select %lt3A_621, %mul3A_622, %broadcast_in_dim3A_624 : vector<16xi1>, vector<16xf32>
      %add3A_626 = arith.addf %add3A_600, %select_n3A_625 : vector<16xf32>
      %add3A_627 = arith.constant 288 : i32
      %add3A_628 = vector.broadcast %add3A_627 : i32 to vector<16xi32>
      %add3A_629 = arith.addi %iota3A, %add3A_628 : vector<16xi32>
      %add3A_630 = arith.constant 12 : i32
      %add3A_631 = arith.addi %add3A_630, %arg1 : i32
      %mul3A_632 = arith.constant 384 : i32
      %mul3A_633 = arith.muli %add3A_631, %mul3A_632 : i32
      %add3A_634 = arith.constant 288 : i32
      %add3A_635 = arith.addi %mul3A_633, %add3A_634 : i32
      %get3A_636 = arith.index_cast %add3A_635 : i32 to index
      %get3A_637 = tpu.vector_load %arg12[%get3A_636] {strides = array<i32>} : memref<9216xf32, #tpu.memory_space<vmem>>, vector<16xf32>,
      %mul3A_638 = arith.constant 384 : i32
      %mul3A_639 = arith.muli %arg1, %mul3A_638 : i32
      %add3A_640 = arith.constant 288 : i32
      %add3A_641 = arith.addi %mul3A_639, %add3A_640 : i32
      %get3A_642 = arith.index_cast %add3A_641 : i32 to index
      %get3A_643 = tpu.vector_load %arg12[%get3A_642] {strides = array<i32>} : memref<9216xf32, #tpu.memory_space<vmem>>, vector<16xf32>,
      %sub3A_644 = arith.subf %get3A_637, %get3A_643 : vector<16xf32>
      %lt3A_645 = arith.constant 300 : i32
      %lt3A_646 = vector.broadcast %lt3A_645 : i32 to vector<16xi32>
      %lt3A_647 = arith.cmpi slt, %add3A_629, %lt3A_646 : vector<16xi32>
      %mul3A_648 = arith.mulf %sub3A_644, %sub3A_644 : vector<16xf32>
      %jit3A_649 = arith.constant 0.000000e+00 : f32
      %broadcast_in_dim3A_650 = vector.broadcast %jit3A_649 : f32 to vector<16xf32>
      %select_n3A_651 = arith.select %lt3A_647, %mul3A_648, %broadcast_in_dim3A_650 : vector<16xi1>, vector<16xf32>
      %add3A_652 = arith.addf %add3A_626, %select_n3A_651 : vector<16xf32>
      %add3A_653 = arith.constant 304 : i32
      %add3A_654 = vector.broadcast %add3A_653 : i32 to vector<16xi32>
      %add3A_655 = arith.addi %iota3A, %add3A_654 : vector<16xi32>
      %add3A_656 = arith.constant 12 : i32
      %add3A_657 = arith.addi %add3A_656, %arg1 : i32
      %mul3A_658 = arith.constant 384 : i32
      %mul3A_659 = arith.muli %add3A_657, %mul3A_658 : i32
      %add3A_660 = arith.constant 304 : i32
      %add3A_661 = arith.addi %mul3A_659, %add3A_660 : i32
      %get3A_662 = arith.index_cast %add3A_661 : i32 to index
      %get3A_663 = tpu.vector_load %arg12[%get3A_662] {strides = array<i32>} : memref<9216xf32, #tpu.memory_space<vmem>>, vector<16xf32>,
      %mul3A_664 = arith.constant 384 : i32
      %mul3A_665 = arith.muli %arg1, %mul3A_664 : i32
      %add3A_666 = arith.constant 304 : i32
      %add3A_667 = arith.addi %mul3A_665, %add3A_666 : i32
      %get3A_668 = arith.index_cast %add3A_667 : i32 to index
      %get3A_669 = tpu.vector_load %arg12[%get3A_668] {strides = array<i32>} : memref<9216xf32, #tpu.memory_space<vmem>>, vector<16xf32>,
      %sub3A_670 = arith.subf %get3A_663, %get3A_669 : vector<16xf32>
      %lt3A_671 = arith.constant 300 : i32
      %lt3A_672 = vector.broadcast %lt3A_671 : i32 to vector<16xi32>
      %lt3A_673 = arith.cmpi slt, %add3A_655, %lt3A_672 : vector<16xi32>
      %mul3A_674 = arith.mulf %sub3A_670, %sub3A_670 : vector<16xf32>
      %jit3A_675 = arith.constant 0.000000e+00 : f32
      %broadcast_in_dim3A_676 = vector.broadcast %jit3A_675 : f32 to vector<16xf32>
      %select_n3A_677 = arith.select %lt3A_673, %mul3A_674, %broadcast_in_dim3A_676 : vector<16xi1>, vector<16xf32>
      %add3A_678 = arith.addf %add3A_652, %select_n3A_677 : vector<16xf32>
      %add3A_679 = arith.constant 320 : i32
      %add3A_680 = vector.broadcast %add3A_679 : i32 to vector<16xi32>
      %add3A_681 = arith.addi %iota3A, %add3A_680 : vector<16xi32>
      %add3A_682 = arith.constant 12 : i32
      %add3A_683 = arith.addi %add3A_682, %arg1 : i32
      %mul3A_684 = arith.constant 384 : i32
      %mul3A_685 = arith.muli %add3A_683, %mul3A_684 : i32
      %add3A_686 = arith.constant 320 : i32
      %add3A_687 = arith.addi %mul3A_685, %add3A_686 : i32
      %get3A_688 = arith.index_cast %add3A_687 : i32 to index
      %get3A_689 = tpu.vector_load %arg12[%get3A_688] {strides = array<i32>} : memref<9216xf32, #tpu.memory_space<vmem>>, vector<16xf32>,
      %mul3A_690 = arith.constant 384 : i32
      %mul3A_691 = arith.muli %arg1, %mul3A_690 : i32
      %add3A_692 = arith.constant 320 : i32
      %add3A_693 = arith.addi %mul3A_691, %add3A_692 : i32
      %get3A_694 = arith.index_cast %add3A_693 : i32 to index
      %get3A_695 = tpu.vector_load %arg12[%get3A_694] {strides = array<i32>} : memref<9216xf32, #tpu.memory_space<vmem>>, vector<16xf32>,
      %sub3A_696 = arith.subf %get3A_689, %get3A_695 : vector<16xf32>
      %lt3A_697 = arith.constant 300 : i32
      %lt3A_698 = vector.broadcast %lt3A_697 : i32 to vector<16xi32>
      %lt3A_699 = arith.cmpi slt, %add3A_681, %lt3A_698 : vector<16xi32>
      %mul3A_700 = arith.mulf %sub3A_696, %sub3A_696 : vector<16xf32>
      %jit3A_701 = arith.constant 0.000000e+00 : f32
      %broadcast_in_dim3A_702 = vector.broadcast %jit3A_701 : f32 to vector<16xf32>
      %select_n3A_703 = arith.select %lt3A_699, %mul3A_700, %broadcast_in_dim3A_702 : vector<16xi1>, vector<16xf32>
      %add3A_704 = arith.addf %add3A_678, %select_n3A_703 : vector<16xf32>
      %add3A_705 = arith.constant 336 : i32
      %add3A_706 = vector.broadcast %add3A_705 : i32 to vector<16xi32>
      %add3A_707 = arith.addi %iota3A, %add3A_706 : vector<16xi32>
      %add3A_708 = arith.constant 12 : i32
      %add3A_709 = arith.addi %add3A_708, %arg1 : i32
      %mul3A_710 = arith.constant 384 : i32
      %mul3A_711 = arith.muli %add3A_709, %mul3A_710 : i32
      %add3A_712 = arith.constant 336 : i32
      %add3A_713 = arith.addi %mul3A_711, %add3A_712 : i32
      %get3A_714 = arith.index_cast %add3A_713 : i32 to index
      %get3A_715 = tpu.vector_load %arg12[%get3A_714] {strides = array<i32>} : memref<9216xf32, #tpu.memory_space<vmem>>, vector<16xf32>,
      %mul3A_716 = arith.constant 384 : i32
      %mul3A_717 = arith.muli %arg1, %mul3A_716 : i32
      %add3A_718 = arith.constant 336 : i32
      %add3A_719 = arith.addi %mul3A_717, %add3A_718 : i32
      %get3A_720 = arith.index_cast %add3A_719 : i32 to index
      %get3A_721 = tpu.vector_load %arg12[%get3A_720] {strides = array<i32>} : memref<9216xf32, #tpu.memory_space<vmem>>, vector<16xf32>,
      %sub3A_722 = arith.subf %get3A_715, %get3A_721 : vector<16xf32>
      %lt3A_723 = arith.constant 300 : i32
      %lt3A_724 = vector.broadcast %lt3A_723 : i32 to vector<16xi32>
      %lt3A_725 = arith.cmpi slt, %add3A_707, %lt3A_724 : vector<16xi32>
      %mul3A_726 = arith.mulf %sub3A_722, %sub3A_722 : vector<16xf32>
      %jit3A_727 = arith.constant 0.000000e+00 : f32
      %broadcast_in_dim3A_728 = vector.broadcast %jit3A_727 : f32 to vector<16xf32>
      %select_n3A_729 = arith.select %lt3A_725, %mul3A_726, %broadcast_in_dim3A_728 : vector<16xi1>, vector<16xf32>
      %add3A_730 = arith.addf %add3A_704, %select_n3A_729 : vector<16xf32>
      %add3A_731 = arith.constant 352 : i32
      %add3A_732 = vector.broadcast %add3A_731 : i32 to vector<16xi32>
      %add3A_733 = arith.addi %iota3A, %add3A_732 : vector<16xi32>
      %add3A_734 = arith.constant 12 : i32
      %add3A_735 = arith.addi %add3A_734, %arg1 : i32
      %mul3A_736 = arith.constant 384 : i32
      %mul3A_737 = arith.muli %add3A_735, %mul3A_736 : i32
      %add3A_738 = arith.constant 352 : i32
      %add3A_739 = arith.addi %mul3A_737, %add3A_738 : i32
      %get3A_740 = arith.index_cast %add3A_739 : i32 to index
      %get3A_741 = tpu.vector_load %arg12[%get3A_740] {strides = array<i32>} : memref<9216xf32, #tpu.memory_space<vmem>>, vector<16xf32>,
      %mul3A_742 = arith.constant 384 : i32
      %mul3A_743 = arith.muli %arg1, %mul3A_742 : i32
      %add3A_744 = arith.constant 352 : i32
      %add3A_745 = arith.addi %mul3A_743, %add3A_744 : i32
      %get3A_746 = arith.index_cast %add3A_745 : i32 to index
      %get3A_747 = tpu.vector_load %arg12[%get3A_746] {strides = array<i32>} : memref<9216xf32, #tpu.memory_space<vmem>>, vector<16xf32>,
      %sub3A_748 = arith.subf %get3A_741, %get3A_747 : vector<16xf32>
      %lt3A_749 = arith.constant 300 : i32
      %lt3A_750 = vector.broadcast %lt3A_749 : i32 to vector<16xi32>
      %lt3A_751 = arith.cmpi slt, %add3A_733, %lt3A_750 : vector<16xi32>
      %mul3A_752 = arith.mulf %sub3A_748, %sub3A_748 : vector<16xf32>
      %jit3A_753 = arith.constant 0.000000e+00 : f32
      %broadcast_in_dim3A_754 = vector.broadcast %jit3A_753 : f32 to vector<16xf32>
      %select_n3A_755 = arith.select %lt3A_751, %mul3A_752, %broadcast_in_dim3A_754 : vector<16xi1>, vector<16xf32>
      %add3A_756 = arith.addf %add3A_730, %select_n3A_755 : vector<16xf32>
      %add3A_757 = arith.constant 368 : i32
      %add3A_758 = vector.broadcast %add3A_757 : i32 to vector<16xi32>
      %add3A_759 = arith.addi %iota3A, %add3A_758 : vector<16xi32>
      %add3A_760 = arith.constant 12 : i32
      %add3A_761 = arith.addi %add3A_760, %arg1 : i32
      %mul3A_762 = arith.constant 384 : i32
      %mul3A_763 = arith.muli %add3A_761, %mul3A_762 : i32
      %add3A_764 = arith.constant 368 : i32
      %add3A_765 = arith.addi %mul3A_763, %add3A_764 : i32
      %get3A_766 = arith.index_cast %add3A_765 : i32 to index
      %get3A_767 = tpu.vector_load %arg12[%get3A_766] {strides = array<i32>} : memref<9216xf32, #tpu.memory_space<vmem>>, vector<16xf32>,
      %mul3A_768 = arith.constant 384 : i32
      %mul3A_769 = arith.muli %arg1, %mul3A_768 : i32
      %add3A_770 = arith.constant 368 : i32
      %add3A_771 = arith.addi %mul3A_769, %add3A_770 : i32
      %get3A_772 = arith.index_cast %add3A_771 : i32 to index
      %get3A_773 = tpu.vector_load %arg12[%get3A_772] {strides = array<i32>} : memref<9216xf32, #tpu.memory_space<vmem>>, vector<16xf32>,
      %sub3A_774 = arith.subf %get3A_767, %get3A_773 : vector<16xf32>
      %lt3A_775 = arith.constant 300 : i32
      %lt3A_776 = vector.broadcast %lt3A_775 : i32 to vector<16xi32>
      %lt3A_777 = arith.cmpi slt, %add3A_759, %lt3A_776 : vector<16xi32>
      %mul3A_778 = arith.mulf %sub3A_774, %sub3A_774 : vector<16xf32>
      %jit3A_779 = arith.constant 0.000000e+00 : f32
      %broadcast_in_dim3A_780 = vector.broadcast %jit3A_779 : f32 to vector<16xf32>
      %select_n3A_781 = arith.select %lt3A_777, %mul3A_778, %broadcast_in_dim3A_780 : vector<16xi1>, vector<16xf32>
      %add3A_782 = arith.addf %add3A_756, %select_n3A_781 : vector<16xf32>
      %eq3A_783 = vector.broadcast %arg1 : i32 to vector<16xi32>
      %eq3A_784 = arith.cmpi eq, %iota3A, %eq3A_783 : vector<16xi32>
      %reduce_sum3A_785 = arith.constant true
      %reduce_sum3A_786 = vector.broadcast %reduce_sum3A_785 : i1 to vector<16xi1>
      %reduce_sum3A_787 = tpu.scan <sum>, %add3A_782 masked %reduce_sum3A_786 : vector<16xf32>, vector<16xi1> -> vector<16xf32>
      %reduce_sum3A_788 = vector.extract %reduce_sum3A_787[15] : f32 from vector<16xf32>
      %jit3A_789 = arith.constant 0.000000e+00 : f32
      %broadcast_in_dim3A_790 = vector.broadcast %reduce_sum3A_788 : f32 to vector<16xf32>
      %broadcast_in_dim3A_791 = vector.broadcast %jit3A_789 : f32 to vector<16xf32>
      %select_n3A_792 = arith.select %eq3A_784, %broadcast_in_dim3A_790, %broadcast_in_dim3A_791 : vector<16xi1>, vector<16xf32>
      %swap3A_793 = arith.constant 0 : index
      %swap3A_794 = tpu.vector_load %arg16[%swap3A_793] {strides = array<i32>} : memref<16xf32, #tpu.memory_space<vmem>>, vector<16xf32>,
      tpu.vector_store %arg16[%swap3A_793], %select_n3A_792 {strides = array<i32>} : memref<16xf32, #tpu.memory_space<vmem>>, vector<16xf32>,
    } else {
    }
    %mul3A_138 = arith.constant 16 : i32
    %mul3A_139 = arith.muli %arg1, %mul3A_138 : i32
    "tpu.region"() ({
      %run_scoped3A = tpu.sem_alloc : memref<!tpu.dma_semaphore, #tpu.memory_space<semaphore_mem>>
      %dma_start3A = tpu.memref_slice %arg21[%mul3A_139] : memref<256xf32, #tpu.memory_space<vmem_shared>> -> memref<16xf32, #tpu.memory_space<vmem_shared>>
      %dma_start3A_158 = tpu.memref_slice %arg21[%mul3A_139] : memref<256xf32, #tpu.memory_space<vmem_shared>> -> memref<16xf32, #tpu.memory_space<vmem_shared>>
      tpu.enqueue_dma source(%arg16 : memref<16xf32, #tpu.memory_space<vmem>>) target(%dma_start3A_158 : memref<16xf32, #tpu.memory_space<vmem_shared>>) target_semaphore(%run_scoped3A : memref<!tpu.dma_semaphore, #tpu.memory_space<semaphore_mem>>)
      %dma_wait3A = tpu.memref_slice %arg21[%mul3A_139] : memref<256xf32, #tpu.memory_space<vmem_shared>> -> memref<16xf32, #tpu.memory_space<vmem_shared>>
      %dma_wait3A_159 = tpu.memref_slice %arg21[%mul3A_139] : memref<256xf32, #tpu.memory_space<vmem_shared>> -> memref<16xf32, #tpu.memory_space<vmem_shared>>
      tpu.wait_dma2 semaphore(%run_scoped3A : memref<!tpu.dma_semaphore, #tpu.memory_space<semaphore_mem>>) src(%arg16 : memref<16xf32, #tpu.memory_space<vmem>>) dst(%dma_wait3A_159 : memref<16xf32, #tpu.memory_space<vmem_shared>>)
      tpu.yield
    }) : () -> ()
    %eq3A_140 = arith.constant 0 : i32
    %eq3A_141 = arith.cmpi eq, %arg0, %eq3A_140 : i32
    %convert_element_type3A_142 = arith.extui %eq3A_141 : i1 to i32
    %cond3A_143 = arith.constant 0 : i32
    %cond3A_144 = arith.cmpi ne, %convert_element_type3A_142, %cond3A_143 : i32
    scf.if %cond3A_144 {
      %mul3A_158 = arith.constant 8192 : i32
      %mul3A_159 = arith.muli %reduce_sum3A_24, %mul3A_158 : i32
      %add3A_160 = arith.constant 0 : i32
      %add3A_161 = arith.addi %add3A_160, %mul3A_159 : i32
      %dma_start3A = arith.constant 0 : i32
      %dma_start3A_162 = tpu.memref_slice %arg9[%dma_start3A] : memref<32768xf32, #tpu.memory_space<vmem>> -> memref<8192xf32, #tpu.memory_space<vmem>>
      %dma_start3A_163 = tpu.memref_slice %arg2[%add3A_161] : memref<3145728xf32, #tpu.memory_space<hbm>> -> memref<8192xf32, #tpu.memory_space<hbm>>
      %dma_start3A_164 = arith.constant 0 : i32
      %dma_start3A_165 = tpu.memref_slice %arg9[%dma_start3A_164] : memref<32768xf32, #tpu.memory_space<vmem>> -> memref<8192xf32, #tpu.memory_space<vmem>>
      %dma_start3A_166 = tpu.memref_slice %arg2[%add3A_161] : memref<3145728xf32, #tpu.memory_space<hbm>> -> memref<8192xf32, #tpu.memory_space<hbm>>
      tpu.enqueue_dma source(%dma_start3A_166 : memref<8192xf32, #tpu.memory_space<hbm>>) target(%dma_start3A_165 : memref<8192xf32, #tpu.memory_space<vmem>>) target_semaphore(%arg22 : memref<!tpu.dma_semaphore, #tpu.memory_space<semaphore_mem>>)
      %mul3A_167 = arith.constant 8192 : i32
      %mul3A_168 = arith.muli %reduce_sum3A_41, %mul3A_167 : i32
      %add3A_169 = arith.constant 0 : i32
      %add3A_170 = arith.addi %add3A_169, %mul3A_168 : i32
      %dma_start3A_171 = arith.constant 8192 : i32
      %dma_start3A_172 = tpu.memref_slice %arg9[%dma_start3A_171] : memref<32768xf32, #tpu.memory_space<vmem>> -> memref<8192xf32, #tpu.memory_space<vmem>>
      %dma_start3A_173 = tpu.memref_slice %arg2[%add3A_170] : memref<3145728xf32, #tpu.memory_space<hbm>> -> memref<8192xf32, #tpu.memory_space<hbm>>
      %dma_start3A_174 = arith.constant 8192 : i32
      %dma_start3A_175 = tpu.memref_slice %arg9[%dma_start3A_174] : memref<32768xf32, #tpu.memory_space<vmem>> -> memref<8192xf32, #tpu.memory_space<vmem>>
      %dma_start3A_176 = tpu.memref_slice %arg2[%add3A_170] : memref<3145728xf32, #tpu.memory_space<hbm>> -> memref<8192xf32, #tpu.memory_space<hbm>>
      tpu.enqueue_dma source(%dma_start3A_176 : memref<8192xf32, #tpu.memory_space<hbm>>) target(%dma_start3A_175 : memref<8192xf32, #tpu.memory_space<vmem>>) target_semaphore(%arg22 : memref<!tpu.dma_semaphore, #tpu.memory_space<semaphore_mem>>)
      %broadcast_in_dim3A_177 = arith.constant 0.000000e+00 : f32
      %broadcast_in_dim3A_178 = vector.broadcast %broadcast_in_dim3A_177 : f32 to vector<16xf32>
      %scan3A = arith.constant 0 : i32
      %scan3A_179 = arith.constant 12 : i32
      %scan3A_180 = arith.addi %scan3A, %scan3A_179 : i32
      %scan3A_181 = arith.constant 1 : i32
      %scan3A_182 = scf.for %scan3A_186 = %scan3A to %scan3A_180 step %scan3A_181 iter_args(%scan3A_187 = %broadcast_in_dim3A_178) -> (vector<16xf32>)  : i32 {
        %and3A_188 = arith.constant 1 : i32
        %and3A_189 = arith.andi %scan3A_186, %and3A_188 : i32
        %mul3A_190 = arith.constant 2 : i32
        %mul3A_191 = arith.muli %and3A_189, %mul3A_190 : i32
        %add3A_192 = arith.constant 0 : i32
        %add3A_193 = arith.addi %mul3A_191, %add3A_192 : i32
        %mul3A_194 = arith.constant 8192 : i32
        %mul3A_195 = arith.muli %add3A_193, %mul3A_194 : i32
        %dma_wait3A = tpu.memref_slice %arg9[%mul3A_195] : memref<32768xf32, #tpu.memory_space<vmem>> -> memref<8192xf32, #tpu.memory_space<vmem>>
        %dma_wait3A_196 = arith.constant 0 : i32
        %dma_wait3A_197 = tpu.memref_slice %arg2[%dma_wait3A_196] : memref<3145728xf32, #tpu.memory_space<hbm>> -> memref<8192xf32, #tpu.memory_space<hbm>>
        %dma_wait3A_198 = tpu.memref_slice %arg9[%mul3A_195] : memref<32768xf32, #tpu.memory_space<vmem>> -> memref<8192xf32, #tpu.memory_space<vmem>>
        %dma_wait3A_199 = arith.constant 0 : i32
        %dma_wait3A_200 = tpu.memref_slice %arg2[%dma_wait3A_199] : memref<3145728xf32, #tpu.memory_space<hbm>> -> memref<8192xf32, #tpu.memory_space<hbm>>
        tpu.wait_dma2 semaphore(%arg22 : memref<!tpu.dma_semaphore, #tpu.memory_space<semaphore_mem>>) src(%dma_wait3A_200 : memref<8192xf32, #tpu.memory_space<hbm>>) dst(%dma_wait3A_198 : memref<8192xf32, #tpu.memory_space<vmem>>)
        %mul3A_201 = arith.constant 2 : i32
        %mul3A_202 = arith.muli %and3A_189, %mul3A_201 : i32
        %add3A_203 = arith.constant 1 : i32
        %add3A_204 = arith.addi %mul3A_202, %add3A_203 : i32
        %mul3A_205 = arith.constant 8192 : i32
        %mul3A_206 = arith.muli %add3A_204, %mul3A_205 : i32
        %dma_wait3A_207 = tpu.memref_slice %arg9[%mul3A_206] : memref<32768xf32, #tpu.memory_space<vmem>> -> memref<8192xf32, #tpu.memory_space<vmem>>
        %dma_wait3A_208 = arith.constant 0 : i32
        %dma_wait3A_209 = tpu.memref_slice %arg2[%dma_wait3A_208] : memref<3145728xf32, #tpu.memory_space<hbm>> -> memref<8192xf32, #tpu.memory_space<hbm>>
        %dma_wait3A_210 = tpu.memref_slice %arg9[%mul3A_206] : memref<32768xf32, #tpu.memory_space<vmem>> -> memref<8192xf32, #tpu.memory_space<vmem>>
        %dma_wait3A_211 = arith.constant 0 : i32
        %dma_wait3A_212 = tpu.memref_slice %arg2[%dma_wait3A_211] : memref<3145728xf32, #tpu.memory_space<hbm>> -> memref<8192xf32, #tpu.memory_space<hbm>>
        tpu.wait_dma2 semaphore(%arg22 : memref<!tpu.dma_semaphore, #tpu.memory_space<semaphore_mem>>) src(%dma_wait3A_212 : memref<8192xf32, #tpu.memory_space<hbm>>) dst(%dma_wait3A_210 : memref<8192xf32, #tpu.memory_space<vmem>>)
        %lt3A_213 = arith.constant 11 : i32
        %lt3A_214 = arith.cmpi slt, %scan3A_186, %lt3A_213 : i32
        %convert_element_type3A_215 = arith.extui %lt3A_214 : i1 to i32
        %cond3A_216 = arith.constant 0 : i32
        %cond3A_217 = arith.cmpi ne, %convert_element_type3A_215, %cond3A_216 : i32
        scf.if %cond3A_217 {
          %add3A_246 = arith.constant 1 : i32
          %add3A_247 = arith.addi %scan3A_186, %add3A_246 : i32
          %sub3A = arith.constant 1 : i32
          %sub3A_248 = arith.subi %sub3A, %and3A_189 : i32
          %mul3A_249 = arith.constant 262144 : i32
          %mul3A_250 = arith.muli %add3A_247, %mul3A_249 : i32
          %mul3A_251 = arith.constant 8192 : i32
          %mul3A_252 = arith.muli %reduce_sum3A_24, %mul3A_251 : i32
          %add3A_253 = arith.addi %mul3A_250, %mul3A_252 : i32
          %mul3A_254 = arith.constant 2 : i32
          %mul3A_255 = arith.muli %sub3A_248, %mul3A_254 : i32
          %add3A_256 = arith.constant 0 : i32
          %add3A_257 = arith.addi %mul3A_255, %add3A_256 : i32
          %mul3A_258 = arith.constant 8192 : i32
          %mul3A_259 = arith.muli %add3A_257, %mul3A_258 : i32
          %dma_start3A_260 = tpu.memref_slice %arg9[%mul3A_259] : memref<32768xf32, #tpu.memory_space<vmem>> -> memref<8192xf32, #tpu.memory_space<vmem>>
          %dma_start3A_261 = tpu.memref_slice %arg2[%add3A_253] : memref<3145728xf32, #tpu.memory_space<hbm>> -> memref<8192xf32, #tpu.memory_space<hbm>>
          %dma_start3A_262 = tpu.memref_slice %arg9[%mul3A_259] : memref<32768xf32, #tpu.memory_space<vmem>> -> memref<8192xf32, #tpu.memory_space<vmem>>
          %dma_start3A_263 = tpu.memref_slice %arg2[%add3A_253] : memref<3145728xf32, #tpu.memory_space<hbm>> -> memref<8192xf32, #tpu.memory_space<hbm>>
          tpu.enqueue_dma source(%dma_start3A_263 : memref<8192xf32, #tpu.memory_space<hbm>>) target(%dma_start3A_262 : memref<8192xf32, #tpu.memory_space<vmem>>) target_semaphore(%arg22 : memref<!tpu.dma_semaphore, #tpu.memory_space<semaphore_mem>>)
          %mul3A_264 = arith.constant 262144 : i32
          %mul3A_265 = arith.muli %add3A_247, %mul3A_264 : i32
          %mul3A_266 = arith.constant 8192 : i32
          %mul3A_267 = arith.muli %reduce_sum3A_41, %mul3A_266 : i32
          %add3A_268 = arith.addi %mul3A_265, %mul3A_267 : i32
          %mul3A_269 = arith.constant 2 : i32
          %mul3A_270 = arith.muli %sub3A_248, %mul3A_269 : i32
          %add3A_271 = arith.constant 1 : i32
          %add3A_272 = arith.addi %mul3A_270, %add3A_271 : i32
          %mul3A_273 = arith.constant 8192 : i32
          %mul3A_274 = arith.muli %add3A_272, %mul3A_273 : i32
          %dma_start3A_275 = tpu.memref_slice %arg9[%mul3A_274] : memref<32768xf32, #tpu.memory_space<vmem>> -> memref<8192xf32, #tpu.memory_space<vmem>>
          %dma_start3A_276 = tpu.memref_slice %arg2[%add3A_268] : memref<3145728xf32, #tpu.memory_space<hbm>> -> memref<8192xf32, #tpu.memory_space<hbm>>
          %dma_start3A_277 = tpu.memref_slice %arg9[%mul3A_274] : memref<32768xf32, #tpu.memory_space<vmem>> -> memref<8192xf32, #tpu.memory_space<vmem>>
          %dma_start3A_278 = tpu.memref_slice %arg2[%add3A_268] : memref<3145728xf32, #tpu.memory_space<hbm>> -> memref<8192xf32, #tpu.memory_space<hbm>>
          tpu.enqueue_dma source(%dma_start3A_278 : memref<8192xf32, #tpu.memory_space<hbm>>) target(%dma_start3A_277 : memref<8192xf32, #tpu.memory_space<vmem>>) target_semaphore(%arg22 : memref<!tpu.dma_semaphore, #tpu.memory_space<semaphore_mem>>)
        } else {
        }
        %mul3A_218 = arith.constant 2 : i32
        %mul3A_219 = arith.muli %and3A_189, %mul3A_218 : i32
        %mul3A_220 = arith.constant 8192 : i32
        %mul3A_221 = arith.muli %mul3A_219, %mul3A_220 : i32
        %broadcast_in_dim3A_222 = vector.broadcast %mul3A_221 : i32 to vector<16xi32>
        %mul3A_223 = arith.constant 12 : i32
        %mul3A_224 = arith.muli %arg0, %mul3A_223 : i32
        %add3A_225 = arith.addi %mul3A_224, %scan3A_186 : i32
        %mul3A_226 = arith.constant 384 : i32
        %mul3A_227 = arith.muli %add3A_225, %mul3A_226 : i32
        %broadcast_in_dim3A_228 = vector.broadcast %mul3A_227 : i32 to vector<16xi32>
        %mul3A_229 = arith.constant 16 : i32
        %mul3A_230 = arith.muli %reduce_sum3A_9, %mul3A_229 : i32
        %broadcast_in_dim3A_231 = arith.constant 0.000000e+00 : f32
        %broadcast_in_dim3A_232 = vector.broadcast %broadcast_in_dim3A_231 : f32 to vector<16xf32>
        %parallel_loop3A = arith.constant 0 : i32
        %parallel_loop3A_233 = arith.constant 16 : i32
        %parallel_loop3A_234 = scf.for %parallel_loop3A_246 = %parallel_loop3A to %mul3A_230 step %parallel_loop3A_233 iter_args(%parallel_loop3A_247 = %broadcast_in_dim3A_232) -> (vector<16xf32>)  : i32 {
          %parallel_loop3A_248 = arith.index_cast %parallel_loop3A_246 : i32 to index
          %parallel_loop3A_249 = tpu.vector_load %arg10[%parallel_loop3A_248] {strides = array<i32>} : memref<6224xi32, #tpu.memory_space<vmem>>, vector<16xi32>,
          %parallel_loop3A_250 = arith.constant 25 : i32
          %parallel_loop3A_251 = vector.broadcast %parallel_loop3A_250 : i32 to vector<16xi32>
          %parallel_loop3A_252 = arith.shrsi %parallel_loop3A_249, %parallel_loop3A_251 : vector<16xi32>
          %parallel_loop3A_253 = arith.sitofp %parallel_loop3A_252 : vector<16xi32> to vector<16xf32>
          %parallel_loop3A_254 = arith.constant 9 : i32
          %parallel_loop3A_255 = vector.broadcast %parallel_loop3A_254 : i32 to vector<16xi32>
          %parallel_loop3A_256 = arith.shrsi %parallel_loop3A_249, %parallel_loop3A_255 : vector<16xi32>
          %parallel_loop3A_257 = arith.constant 16383 : i32
          %parallel_loop3A_258 = vector.broadcast %parallel_loop3A_257 : i32 to vector<16xi32>
          %parallel_loop3A_259 = arith.andi %parallel_loop3A_256, %parallel_loop3A_258 : vector<16xi32>
          %parallel_loop3A_260 = arith.addi %parallel_loop3A_259, %broadcast_in_dim3A_222 : vector<16xi32>
          %parallel_loop3A_261 = arith.constant 511 : i32
          %parallel_loop3A_262 = vector.broadcast %parallel_loop3A_261 : i32 to vector<16xi32>
          %parallel_loop3A_263 = arith.andi %parallel_loop3A_249, %parallel_loop3A_262 : vector<16xi32>
          %parallel_loop3A_264 = arith.addi %parallel_loop3A_263, %broadcast_in_dim3A_228 : vector<16xi32>
          %parallel_loop3A_265 = tpu.vector_load_idx %arg9[%parallel_loop3A_260] : memref<32768xf32, #tpu.memory_space<vmem>>[vector<16xi32>], vector<16xf32>,
          %parallel_loop3A_266 = tpu.vector_load_idx %arg12[%parallel_loop3A_264] : memref<9216xf32, #tpu.memory_space<vmem>>[vector<16xi32>], vector<16xf32>,
          %parallel_loop3A_267 = arith.subf %parallel_loop3A_266, %parallel_loop3A_265 : vector<16xf32>
          %parallel_loop3A_268 = arith.mulf %parallel_loop3A_267, %parallel_loop3A_267 : vector<16xf32>
          %parallel_loop3A_269 = arith.mulf %parallel_loop3A_268, %parallel_loop3A_253 : vector<16xf32>
          %parallel_loop3A_270 = arith.addf %parallel_loop3A_247, %parallel_loop3A_269 : vector<16xf32>
          scf.yield %parallel_loop3A_270 : vector<16xf32>
        } {sc.loop_unroll_factor = 4 : i64, sc.parallel_access}
        %reduce_sum3A_235 = arith.constant true
        %reduce_sum3A_236 = vector.broadcast %reduce_sum3A_235 : i1 to vector<16xi1>
        %reduce_sum3A_237 = tpu.scan <sum>, %parallel_loop3A_234 masked %reduce_sum3A_236 : vector<16xf32>, vector<16xi1> -> vector<16xf32>
        %reduce_sum3A_238 = vector.extract %reduce_sum3A_237[15] : f32 from vector<16xf32>
        %eq3A_239 = vector.broadcast %scan3A_186 : i32 to vector<16xi32>
        %eq3A_240 = arith.cmpi eq, %iota3A, %eq3A_239 : vector<16xi32>
        %jit3A_241 = arith.constant 0.000000e+00 : f32
        %broadcast_in_dim3A_242 = vector.broadcast %reduce_sum3A_238 : f32 to vector<16xf32>
        %broadcast_in_dim3A_243 = vector.broadcast %jit3A_241 : f32 to vector<16xf32>
        %select_n3A_244 = arith.select %eq3A_240, %broadcast_in_dim3A_242, %broadcast_in_dim3A_243 : vector<16xi1>, vector<16xf32>
        %add3A_245 = arith.addf %scan3A_187, %select_n3A_244 : vector<16xf32>
        scf.yield %add3A_245 : vector<16xf32>
      }
      %scan3A_183 = arith.constant 12 : i32
      %swap3A_184 = arith.constant 0 : index
      %swap3A_185 = tpu.vector_load %arg16[%swap3A_184] {strides = array<i32>} : memref<16xf32, #tpu.memory_space<vmem>>, vector<16xf32>,
      tpu.vector_store %arg16[%swap3A_184], %scan3A_182 {strides = array<i32>} : memref<16xf32, #tpu.memory_space<vmem>>, vector<16xf32>,
    } else {
    }
    %eq3A_145 = arith.constant 1 : i32
    %eq3A_146 = arith.cmpi eq, %arg0, %eq3A_145 : i32
    %convert_element_type3A_147 = arith.extui %eq3A_146 : i1 to i32
    %cond3A_148 = arith.constant 0 : i32
    %cond3A_149 = arith.cmpi ne, %convert_element_type3A_147, %cond3A_148 : i32
    scf.if %cond3A_149 {
      %mul3A_158 = arith.constant 8192 : i32
      %mul3A_159 = arith.muli %reduce_sum3A_24, %mul3A_158 : i32
      %add3A_160 = arith.constant 0 : i32
      %add3A_161 = arith.addi %add3A_160, %mul3A_159 : i32
      %dma_start3A = arith.constant 0 : i32
      %dma_start3A_162 = tpu.memref_slice %arg9[%dma_start3A] : memref<32768xf32, #tpu.memory_space<vmem>> -> memref<8192xf32, #tpu.memory_space<vmem>>
      %dma_start3A_163 = tpu.memref_slice %arg3[%add3A_161] : memref<3145728xf32, #tpu.memory_space<hbm>> -> memref<8192xf32, #tpu.memory_space<hbm>>
      %dma_start3A_164 = arith.constant 0 : i32
      %dma_start3A_165 = tpu.memref_slice %arg9[%dma_start3A_164] : memref<32768xf32, #tpu.memory_space<vmem>> -> memref<8192xf32, #tpu.memory_space<vmem>>
      %dma_start3A_166 = tpu.memref_slice %arg3[%add3A_161] : memref<3145728xf32, #tpu.memory_space<hbm>> -> memref<8192xf32, #tpu.memory_space<hbm>>
      tpu.enqueue_dma source(%dma_start3A_166 : memref<8192xf32, #tpu.memory_space<hbm>>) target(%dma_start3A_165 : memref<8192xf32, #tpu.memory_space<vmem>>) target_semaphore(%arg22 : memref<!tpu.dma_semaphore, #tpu.memory_space<semaphore_mem>>)
      %mul3A_167 = arith.constant 8192 : i32
      %mul3A_168 = arith.muli %reduce_sum3A_41, %mul3A_167 : i32
      %add3A_169 = arith.constant 0 : i32
      %add3A_170 = arith.addi %add3A_169, %mul3A_168 : i32
      %dma_start3A_171 = arith.constant 8192 : i32
      %dma_start3A_172 = tpu.memref_slice %arg9[%dma_start3A_171] : memref<32768xf32, #tpu.memory_space<vmem>> -> memref<8192xf32, #tpu.memory_space<vmem>>
      %dma_start3A_173 = tpu.memref_slice %arg3[%add3A_170] : memref<3145728xf32, #tpu.memory_space<hbm>> -> memref<8192xf32, #tpu.memory_space<hbm>>
      %dma_start3A_174 = arith.constant 8192 : i32
      %dma_start3A_175 = tpu.memref_slice %arg9[%dma_start3A_174] : memref<32768xf32, #tpu.memory_space<vmem>> -> memref<8192xf32, #tpu.memory_space<vmem>>
      %dma_start3A_176 = tpu.memref_slice %arg3[%add3A_170] : memref<3145728xf32, #tpu.memory_space<hbm>> -> memref<8192xf32, #tpu.memory_space<hbm>>
      tpu.enqueue_dma source(%dma_start3A_176 : memref<8192xf32, #tpu.memory_space<hbm>>) target(%dma_start3A_175 : memref<8192xf32, #tpu.memory_space<vmem>>) target_semaphore(%arg22 : memref<!tpu.dma_semaphore, #tpu.memory_space<semaphore_mem>>)
      %broadcast_in_dim3A_177 = arith.constant 0.000000e+00 : f32
      %broadcast_in_dim3A_178 = vector.broadcast %broadcast_in_dim3A_177 : f32 to vector<16xf32>
      %scan3A = arith.constant 0 : i32
      %scan3A_179 = arith.constant 12 : i32
      %scan3A_180 = arith.addi %scan3A, %scan3A_179 : i32
      %scan3A_181 = arith.constant 1 : i32
      %scan3A_182 = scf.for %scan3A_186 = %scan3A to %scan3A_180 step %scan3A_181 iter_args(%scan3A_187 = %broadcast_in_dim3A_178) -> (vector<16xf32>)  : i32 {
        %and3A_188 = arith.constant 1 : i32
        %and3A_189 = arith.andi %scan3A_186, %and3A_188 : i32
        %mul3A_190 = arith.constant 2 : i32
        %mul3A_191 = arith.muli %and3A_189, %mul3A_190 : i32
        %add3A_192 = arith.constant 0 : i32
        %add3A_193 = arith.addi %mul3A_191, %add3A_192 : i32
        %mul3A_194 = arith.constant 8192 : i32
        %mul3A_195 = arith.muli %add3A_193, %mul3A_194 : i32
        %dma_wait3A = tpu.memref_slice %arg9[%mul3A_195] : memref<32768xf32, #tpu.memory_space<vmem>> -> memref<8192xf32, #tpu.memory_space<vmem>>
        %dma_wait3A_196 = arith.constant 0 : i32
        %dma_wait3A_197 = tpu.memref_slice %arg3[%dma_wait3A_196] : memref<3145728xf32, #tpu.memory_space<hbm>> -> memref<8192xf32, #tpu.memory_space<hbm>>
        %dma_wait3A_198 = tpu.memref_slice %arg9[%mul3A_195] : memref<32768xf32, #tpu.memory_space<vmem>> -> memref<8192xf32, #tpu.memory_space<vmem>>
        %dma_wait3A_199 = arith.constant 0 : i32
        %dma_wait3A_200 = tpu.memref_slice %arg3[%dma_wait3A_199] : memref<3145728xf32, #tpu.memory_space<hbm>> -> memref<8192xf32, #tpu.memory_space<hbm>>
        tpu.wait_dma2 semaphore(%arg22 : memref<!tpu.dma_semaphore, #tpu.memory_space<semaphore_mem>>) src(%dma_wait3A_200 : memref<8192xf32, #tpu.memory_space<hbm>>) dst(%dma_wait3A_198 : memref<8192xf32, #tpu.memory_space<vmem>>)
        %mul3A_201 = arith.constant 2 : i32
        %mul3A_202 = arith.muli %and3A_189, %mul3A_201 : i32
        %add3A_203 = arith.constant 1 : i32
        %add3A_204 = arith.addi %mul3A_202, %add3A_203 : i32
        %mul3A_205 = arith.constant 8192 : i32
        %mul3A_206 = arith.muli %add3A_204, %mul3A_205 : i32
        %dma_wait3A_207 = tpu.memref_slice %arg9[%mul3A_206] : memref<32768xf32, #tpu.memory_space<vmem>> -> memref<8192xf32, #tpu.memory_space<vmem>>
        %dma_wait3A_208 = arith.constant 0 : i32
        %dma_wait3A_209 = tpu.memref_slice %arg3[%dma_wait3A_208] : memref<3145728xf32, #tpu.memory_space<hbm>> -> memref<8192xf32, #tpu.memory_space<hbm>>
        %dma_wait3A_210 = tpu.memref_slice %arg9[%mul3A_206] : memref<32768xf32, #tpu.memory_space<vmem>> -> memref<8192xf32, #tpu.memory_space<vmem>>
        %dma_wait3A_211 = arith.constant 0 : i32
        %dma_wait3A_212 = tpu.memref_slice %arg3[%dma_wait3A_211] : memref<3145728xf32, #tpu.memory_space<hbm>> -> memref<8192xf32, #tpu.memory_space<hbm>>
        tpu.wait_dma2 semaphore(%arg22 : memref<!tpu.dma_semaphore, #tpu.memory_space<semaphore_mem>>) src(%dma_wait3A_212 : memref<8192xf32, #tpu.memory_space<hbm>>) dst(%dma_wait3A_210 : memref<8192xf32, #tpu.memory_space<vmem>>)
        %lt3A_213 = arith.constant 11 : i32
        %lt3A_214 = arith.cmpi slt, %scan3A_186, %lt3A_213 : i32
        %convert_element_type3A_215 = arith.extui %lt3A_214 : i1 to i32
        %cond3A_216 = arith.constant 0 : i32
        %cond3A_217 = arith.cmpi ne, %convert_element_type3A_215, %cond3A_216 : i32
        scf.if %cond3A_217 {
          %add3A_246 = arith.constant 1 : i32
          %add3A_247 = arith.addi %scan3A_186, %add3A_246 : i32
          %sub3A = arith.constant 1 : i32
          %sub3A_248 = arith.subi %sub3A, %and3A_189 : i32
          %mul3A_249 = arith.constant 262144 : i32
          %mul3A_250 = arith.muli %add3A_247, %mul3A_249 : i32
          %mul3A_251 = arith.constant 8192 : i32
          %mul3A_252 = arith.muli %reduce_sum3A_24, %mul3A_251 : i32
          %add3A_253 = arith.addi %mul3A_250, %mul3A_252 : i32
          %mul3A_254 = arith.constant 2 : i32
          %mul3A_255 = arith.muli %sub3A_248, %mul3A_254 : i32
          %add3A_256 = arith.constant 0 : i32
          %add3A_257 = arith.addi %mul3A_255, %add3A_256 : i32
          %mul3A_258 = arith.constant 8192 : i32
          %mul3A_259 = arith.muli %add3A_257, %mul3A_258 : i32
          %dma_start3A_260 = tpu.memref_slice %arg9[%mul3A_259] : memref<32768xf32, #tpu.memory_space<vmem>> -> memref<8192xf32, #tpu.memory_space<vmem>>
          %dma_start3A_261 = tpu.memref_slice %arg3[%add3A_253] : memref<3145728xf32, #tpu.memory_space<hbm>> -> memref<8192xf32, #tpu.memory_space<hbm>>
          %dma_start3A_262 = tpu.memref_slice %arg9[%mul3A_259] : memref<32768xf32, #tpu.memory_space<vmem>> -> memref<8192xf32, #tpu.memory_space<vmem>>
          %dma_start3A_263 = tpu.memref_slice %arg3[%add3A_253] : memref<3145728xf32, #tpu.memory_space<hbm>> -> memref<8192xf32, #tpu.memory_space<hbm>>
          tpu.enqueue_dma source(%dma_start3A_263 : memref<8192xf32, #tpu.memory_space<hbm>>) target(%dma_start3A_262 : memref<8192xf32, #tpu.memory_space<vmem>>) target_semaphore(%arg22 : memref<!tpu.dma_semaphore, #tpu.memory_space<semaphore_mem>>)
          %mul3A_264 = arith.constant 262144 : i32
          %mul3A_265 = arith.muli %add3A_247, %mul3A_264 : i32
          %mul3A_266 = arith.constant 8192 : i32
          %mul3A_267 = arith.muli %reduce_sum3A_41, %mul3A_266 : i32
          %add3A_268 = arith.addi %mul3A_265, %mul3A_267 : i32
          %mul3A_269 = arith.constant 2 : i32
          %mul3A_270 = arith.muli %sub3A_248, %mul3A_269 : i32
          %add3A_271 = arith.constant 1 : i32
          %add3A_272 = arith.addi %mul3A_270, %add3A_271 : i32
          %mul3A_273 = arith.constant 8192 : i32
          %mul3A_274 = arith.muli %add3A_272, %mul3A_273 : i32
          %dma_start3A_275 = tpu.memref_slice %arg9[%mul3A_274] : memref<32768xf32, #tpu.memory_space<vmem>> -> memref<8192xf32, #tpu.memory_space<vmem>>
          %dma_start3A_276 = tpu.memref_slice %arg3[%add3A_268] : memref<3145728xf32, #tpu.memory_space<hbm>> -> memref<8192xf32, #tpu.memory_space<hbm>>
          %dma_start3A_277 = tpu.memref_slice %arg9[%mul3A_274] : memref<32768xf32, #tpu.memory_space<vmem>> -> memref<8192xf32, #tpu.memory_space<vmem>>
          %dma_start3A_278 = tpu.memref_slice %arg3[%add3A_268] : memref<3145728xf32, #tpu.memory_space<hbm>> -> memref<8192xf32, #tpu.memory_space<hbm>>
          tpu.enqueue_dma source(%dma_start3A_278 : memref<8192xf32, #tpu.memory_space<hbm>>) target(%dma_start3A_277 : memref<8192xf32, #tpu.memory_space<vmem>>) target_semaphore(%arg22 : memref<!tpu.dma_semaphore, #tpu.memory_space<semaphore_mem>>)
        } else {
        }
        %mul3A_218 = arith.constant 2 : i32
        %mul3A_219 = arith.muli %and3A_189, %mul3A_218 : i32
        %mul3A_220 = arith.constant 8192 : i32
        %mul3A_221 = arith.muli %mul3A_219, %mul3A_220 : i32
        %broadcast_in_dim3A_222 = vector.broadcast %mul3A_221 : i32 to vector<16xi32>
        %mul3A_223 = arith.constant 12 : i32
        %mul3A_224 = arith.muli %arg0, %mul3A_223 : i32
        %add3A_225 = arith.addi %mul3A_224, %scan3A_186 : i32
        %mul3A_226 = arith.constant 384 : i32
        %mul3A_227 = arith.muli %add3A_225, %mul3A_226 : i32
        %broadcast_in_dim3A_228 = vector.broadcast %mul3A_227 : i32 to vector<16xi32>
        %mul3A_229 = arith.constant 16 : i32
        %mul3A_230 = arith.muli %reduce_sum3A_9, %mul3A_229 : i32
        %broadcast_in_dim3A_231 = arith.constant 0.000000e+00 : f32
        %broadcast_in_dim3A_232 = vector.broadcast %broadcast_in_dim3A_231 : f32 to vector<16xf32>
        %parallel_loop3A = arith.constant 0 : i32
        %parallel_loop3A_233 = arith.constant 16 : i32
        %parallel_loop3A_234 = scf.for %parallel_loop3A_246 = %parallel_loop3A to %mul3A_230 step %parallel_loop3A_233 iter_args(%parallel_loop3A_247 = %broadcast_in_dim3A_232) -> (vector<16xf32>)  : i32 {
          %parallel_loop3A_248 = arith.index_cast %parallel_loop3A_246 : i32 to index
          %parallel_loop3A_249 = tpu.vector_load %arg10[%parallel_loop3A_248] {strides = array<i32>} : memref<6224xi32, #tpu.memory_space<vmem>>, vector<16xi32>,
          %parallel_loop3A_250 = arith.constant 25 : i32
          %parallel_loop3A_251 = vector.broadcast %parallel_loop3A_250 : i32 to vector<16xi32>
          %parallel_loop3A_252 = arith.shrsi %parallel_loop3A_249, %parallel_loop3A_251 : vector<16xi32>
          %parallel_loop3A_253 = arith.sitofp %parallel_loop3A_252 : vector<16xi32> to vector<16xf32>
          %parallel_loop3A_254 = arith.constant 9 : i32
          %parallel_loop3A_255 = vector.broadcast %parallel_loop3A_254 : i32 to vector<16xi32>
          %parallel_loop3A_256 = arith.shrsi %parallel_loop3A_249, %parallel_loop3A_255 : vector<16xi32>
          %parallel_loop3A_257 = arith.constant 16383 : i32
          %parallel_loop3A_258 = vector.broadcast %parallel_loop3A_257 : i32 to vector<16xi32>
          %parallel_loop3A_259 = arith.andi %parallel_loop3A_256, %parallel_loop3A_258 : vector<16xi32>
          %parallel_loop3A_260 = arith.addi %parallel_loop3A_259, %broadcast_in_dim3A_222 : vector<16xi32>
          %parallel_loop3A_261 = arith.constant 511 : i32
          %parallel_loop3A_262 = vector.broadcast %parallel_loop3A_261 : i32 to vector<16xi32>
          %parallel_loop3A_263 = arith.andi %parallel_loop3A_249, %parallel_loop3A_262 : vector<16xi32>
          %parallel_loop3A_264 = arith.addi %parallel_loop3A_263, %broadcast_in_dim3A_228 : vector<16xi32>
          %parallel_loop3A_265 = tpu.vector_load_idx %arg9[%parallel_loop3A_260] : memref<32768xf32, #tpu.memory_space<vmem>>[vector<16xi32>], vector<16xf32>,
          %parallel_loop3A_266 = tpu.vector_load_idx %arg12[%parallel_loop3A_264] : memref<9216xf32, #tpu.memory_space<vmem>>[vector<16xi32>], vector<16xf32>,
          %parallel_loop3A_267 = arith.subf %parallel_loop3A_266, %parallel_loop3A_265 : vector<16xf32>
          %parallel_loop3A_268 = arith.mulf %parallel_loop3A_267, %parallel_loop3A_267 : vector<16xf32>
          %parallel_loop3A_269 = arith.mulf %parallel_loop3A_268, %parallel_loop3A_253 : vector<16xf32>
          %parallel_loop3A_270 = arith.addf %parallel_loop3A_247, %parallel_loop3A_269 : vector<16xf32>
          scf.yield %parallel_loop3A_270 : vector<16xf32>
        } {sc.loop_unroll_factor = 4 : i64, sc.parallel_access}
        %reduce_sum3A_235 = arith.constant true
        %reduce_sum3A_236 = vector.broadcast %reduce_sum3A_235 : i1 to vector<16xi1>
        %reduce_sum3A_237 = tpu.scan <sum>, %parallel_loop3A_234 masked %reduce_sum3A_236 : vector<16xf32>, vector<16xi1> -> vector<16xf32>
        %reduce_sum3A_238 = vector.extract %reduce_sum3A_237[15] : f32 from vector<16xf32>
        %eq3A_239 = vector.broadcast %scan3A_186 : i32 to vector<16xi32>
        %eq3A_240 = arith.cmpi eq, %iota3A, %eq3A_239 : vector<16xi32>
        %jit3A_241 = arith.constant 0.000000e+00 : f32
        %broadcast_in_dim3A_242 = vector.broadcast %reduce_sum3A_238 : f32 to vector<16xf32>
        %broadcast_in_dim3A_243 = vector.broadcast %jit3A_241 : f32 to vector<16xf32>
        %select_n3A_244 = arith.select %eq3A_240, %broadcast_in_dim3A_242, %broadcast_in_dim3A_243 : vector<16xi1>, vector<16xf32>
        %add3A_245 = arith.addf %scan3A_187, %select_n3A_244 : vector<16xf32>
        scf.yield %add3A_245 : vector<16xf32>
      }
      %scan3A_183 = arith.constant 12 : i32
      %swap3A_184 = arith.constant 0 : index
      %swap3A_185 = tpu.vector_load %arg16[%swap3A_184] {strides = array<i32>} : memref<16xf32, #tpu.memory_space<vmem>>, vector<16xf32>,
      tpu.vector_store %arg16[%swap3A_184], %scan3A_182 {strides = array<i32>} : memref<16xf32, #tpu.memory_space<vmem>>, vector<16xf32>,
    } else {
    }
    %mul3A_150 = arith.constant 16 : i32
    %mul3A_151 = arith.muli %arg1, %mul3A_150 : i32
    "tpu.region"() ({
      %run_scoped3A = tpu.sem_alloc : memref<!tpu.dma_semaphore, #tpu.memory_space<semaphore_mem>>
      %dma_start3A = tpu.memref_slice %arg20[%mul3A_151] : memref<256xf32, #tpu.memory_space<vmem_shared>> -> memref<16xf32, #tpu.memory_space<vmem_shared>>
      %dma_start3A_158 = tpu.memref_slice %arg20[%mul3A_151] : memref<256xf32, #tpu.memory_space<vmem_shared>> -> memref<16xf32, #tpu.memory_space<vmem_shared>>
      tpu.enqueue_dma source(%arg16 : memref<16xf32, #tpu.memory_space<vmem>>) target(%dma_start3A_158 : memref<16xf32, #tpu.memory_space<vmem_shared>>) target_semaphore(%run_scoped3A : memref<!tpu.dma_semaphore, #tpu.memory_space<semaphore_mem>>)
      %dma_wait3A = tpu.memref_slice %arg20[%mul3A_151] : memref<256xf32, #tpu.memory_space<vmem_shared>> -> memref<16xf32, #tpu.memory_space<vmem_shared>>
      %dma_wait3A_159 = tpu.memref_slice %arg20[%mul3A_151] : memref<256xf32, #tpu.memory_space<vmem_shared>> -> memref<16xf32, #tpu.memory_space<vmem_shared>>
      tpu.wait_dma2 semaphore(%run_scoped3A : memref<!tpu.dma_semaphore, #tpu.memory_space<semaphore_mem>>) src(%arg16 : memref<16xf32, #tpu.memory_space<vmem>>) dst(%dma_wait3A_159 : memref<16xf32, #tpu.memory_space<vmem_shared>>)
      tpu.yield
    }) : () -> ()
    %barrier3A_152 = arith.constant 0 : index
    tpu.barrier barrier_id(%barrier3A_152)
    %eq3A_153 = arith.constant 0 : i32
    %eq3A_154 = arith.cmpi eq, %arg1, %eq3A_153 : i32
    %convert_element_type3A_155 = arith.extui %eq3A_154 : i1 to i32
    %cond3A_156 = arith.constant 0 : i32
    %cond3A_157 = arith.cmpi ne, %convert_element_type3A_155, %cond3A_156 : i32
    scf.if %cond3A_157 {
      "tpu.region"() ({
        %run_scoped3A = tpu.sem_alloc : memref<!tpu.dma_semaphore, #tpu.memory_space<semaphore_mem>>
        tpu.enqueue_dma source(%arg20 : memref<256xf32, #tpu.memory_space<vmem_shared>>) target(%arg17 : memref<256xf32, #tpu.memory_space<vmem>>) target_semaphore(%run_scoped3A : memref<!tpu.dma_semaphore, #tpu.memory_space<semaphore_mem>>)
        tpu.wait_dma2 semaphore(%run_scoped3A : memref<!tpu.dma_semaphore, #tpu.memory_space<semaphore_mem>>) src(%arg20 : memref<256xf32, #tpu.memory_space<vmem_shared>>) dst(%arg17 : memref<256xf32, #tpu.memory_space<vmem>>)
        tpu.yield
      }) : () -> ()
      "tpu.region"() ({
        %run_scoped3A = tpu.sem_alloc : memref<!tpu.dma_semaphore, #tpu.memory_space<semaphore_mem>>
        tpu.enqueue_dma source(%arg21 : memref<256xf32, #tpu.memory_space<vmem_shared>>) target(%arg18 : memref<256xf32, #tpu.memory_space<vmem>>) target_semaphore(%run_scoped3A : memref<!tpu.dma_semaphore, #tpu.memory_space<semaphore_mem>>)
        tpu.wait_dma2 semaphore(%run_scoped3A : memref<!tpu.dma_semaphore, #tpu.memory_space<semaphore_mem>>) src(%arg21 : memref<256xf32, #tpu.memory_space<vmem_shared>>) dst(%arg18 : memref<256xf32, #tpu.memory_space<vmem>>)
        tpu.yield
      }) : () -> ()
      %broadcast_in_dim3A_158 = arith.constant 0.000000e+00 : f32
      %broadcast_in_dim3A_159 = vector.broadcast %broadcast_in_dim3A_158 : f32 to vector<16xf32>
      %broadcast_in_dim3A_160 = arith.constant 0.000000e+00 : f32
      %broadcast_in_dim3A_161 = vector.broadcast %broadcast_in_dim3A_160 : f32 to vector<16xf32>
      %get3A_162 = arith.constant 0 : index
      %get3A_163 = tpu.vector_load %arg17[%get3A_162] {strides = array<i32>} : memref<256xf32, #tpu.memory_space<vmem>>, vector<16xf32>,
      %add3A_164 = arith.addf %broadcast_in_dim3A_159, %get3A_163 : vector<16xf32>
      %get3A_165 = arith.constant 0 : index
      %get3A_166 = tpu.vector_load %arg18[%get3A_165] {strides = array<i32>} : memref<256xf32, #tpu.memory_space<vmem>>, vector<16xf32>,
      %add3A_167 = arith.addf %broadcast_in_dim3A_161, %get3A_166 : vector<16xf32>
      %get3A_168 = arith.constant 16 : index
      %get3A_169 = tpu.vector_load %arg17[%get3A_168] {strides = array<i32>} : memref<256xf32, #tpu.memory_space<vmem>>, vector<16xf32>,
      %add3A_170 = arith.addf %add3A_164, %get3A_169 : vector<16xf32>
      %get3A_171 = arith.constant 16 : index
      %get3A_172 = tpu.vector_load %arg18[%get3A_171] {strides = array<i32>} : memref<256xf32, #tpu.memory_space<vmem>>, vector<16xf32>,
      %add3A_173 = arith.addf %add3A_167, %get3A_172 : vector<16xf32>
      %get3A_174 = arith.constant 32 : index
      %get3A_175 = tpu.vector_load %arg17[%get3A_174] {strides = array<i32>} : memref<256xf32, #tpu.memory_space<vmem>>, vector<16xf32>,
      %add3A_176 = arith.addf %add3A_170, %get3A_175 : vector<16xf32>
      %get3A_177 = arith.constant 32 : index
      %get3A_178 = tpu.vector_load %arg18[%get3A_177] {strides = array<i32>} : memref<256xf32, #tpu.memory_space<vmem>>, vector<16xf32>,
      %add3A_179 = arith.addf %add3A_173, %get3A_178 : vector<16xf32>
      %get3A_180 = arith.constant 48 : index
      %get3A_181 = tpu.vector_load %arg17[%get3A_180] {strides = array<i32>} : memref<256xf32, #tpu.memory_space<vmem>>, vector<16xf32>,
      %add3A_182 = arith.addf %add3A_176, %get3A_181 : vector<16xf32>
      %get3A_183 = arith.constant 48 : index
      %get3A_184 = tpu.vector_load %arg18[%get3A_183] {strides = array<i32>} : memref<256xf32, #tpu.memory_space<vmem>>, vector<16xf32>,
      %add3A_185 = arith.addf %add3A_179, %get3A_184 : vector<16xf32>
      %get3A_186 = arith.constant 64 : index
      %get3A_187 = tpu.vector_load %arg17[%get3A_186] {strides = array<i32>} : memref<256xf32, #tpu.memory_space<vmem>>, vector<16xf32>,
      %add3A_188 = arith.addf %add3A_182, %get3A_187 : vector<16xf32>
      %get3A_189 = arith.constant 64 : index
      %get3A_190 = tpu.vector_load %arg18[%get3A_189] {strides = array<i32>} : memref<256xf32, #tpu.memory_space<vmem>>, vector<16xf32>,
      %add3A_191 = arith.addf %add3A_185, %get3A_190 : vector<16xf32>
      %get3A_192 = arith.constant 80 : index
      %get3A_193 = tpu.vector_load %arg17[%get3A_192] {strides = array<i32>} : memref<256xf32, #tpu.memory_space<vmem>>, vector<16xf32>,
      %add3A_194 = arith.addf %add3A_188, %get3A_193 : vector<16xf32>
      %get3A_195 = arith.constant 80 : index
      %get3A_196 = tpu.vector_load %arg18[%get3A_195] {strides = array<i32>} : memref<256xf32, #tpu.memory_space<vmem>>, vector<16xf32>,
      %add3A_197 = arith.addf %add3A_191, %get3A_196 : vector<16xf32>
      %get3A_198 = arith.constant 96 : index
      %get3A_199 = tpu.vector_load %arg17[%get3A_198] {strides = array<i32>} : memref<256xf32, #tpu.memory_space<vmem>>, vector<16xf32>,
      %add3A_200 = arith.addf %add3A_194, %get3A_199 : vector<16xf32>
      %get3A_201 = arith.constant 96 : index
      %get3A_202 = tpu.vector_load %arg18[%get3A_201] {strides = array<i32>} : memref<256xf32, #tpu.memory_space<vmem>>, vector<16xf32>,
      %add3A_203 = arith.addf %add3A_197, %get3A_202 : vector<16xf32>
      %get3A_204 = arith.constant 112 : index
      %get3A_205 = tpu.vector_load %arg17[%get3A_204] {strides = array<i32>} : memref<256xf32, #tpu.memory_space<vmem>>, vector<16xf32>,
      %add3A_206 = arith.addf %add3A_200, %get3A_205 : vector<16xf32>
      %get3A_207 = arith.constant 112 : index
      %get3A_208 = tpu.vector_load %arg18[%get3A_207] {strides = array<i32>} : memref<256xf32, #tpu.memory_space<vmem>>, vector<16xf32>,
      %add3A_209 = arith.addf %add3A_203, %get3A_208 : vector<16xf32>
      %get3A_210 = arith.constant 128 : index
      %get3A_211 = tpu.vector_load %arg17[%get3A_210] {strides = array<i32>} : memref<256xf32, #tpu.memory_space<vmem>>, vector<16xf32>,
      %add3A_212 = arith.addf %add3A_206, %get3A_211 : vector<16xf32>
      %get3A_213 = arith.constant 128 : index
      %get3A_214 = tpu.vector_load %arg18[%get3A_213] {strides = array<i32>} : memref<256xf32, #tpu.memory_space<vmem>>, vector<16xf32>,
      %add3A_215 = arith.addf %add3A_209, %get3A_214 : vector<16xf32>
      %get3A_216 = arith.constant 144 : index
      %get3A_217 = tpu.vector_load %arg17[%get3A_216] {strides = array<i32>} : memref<256xf32, #tpu.memory_space<vmem>>, vector<16xf32>,
      %add3A_218 = arith.addf %add3A_212, %get3A_217 : vector<16xf32>
      %get3A_219 = arith.constant 144 : index
      %get3A_220 = tpu.vector_load %arg18[%get3A_219] {strides = array<i32>} : memref<256xf32, #tpu.memory_space<vmem>>, vector<16xf32>,
      %add3A_221 = arith.addf %add3A_215, %get3A_220 : vector<16xf32>
      %get3A_222 = arith.constant 160 : index
      %get3A_223 = tpu.vector_load %arg17[%get3A_222] {strides = array<i32>} : memref<256xf32, #tpu.memory_space<vmem>>, vector<16xf32>,
      %add3A_224 = arith.addf %add3A_218, %get3A_223 : vector<16xf32>
      %get3A_225 = arith.constant 160 : index
      %get3A_226 = tpu.vector_load %arg18[%get3A_225] {strides = array<i32>} : memref<256xf32, #tpu.memory_space<vmem>>, vector<16xf32>,
      %add3A_227 = arith.addf %add3A_221, %get3A_226 : vector<16xf32>
      %get3A_228 = arith.constant 176 : index
      %get3A_229 = tpu.vector_load %arg17[%get3A_228] {strides = array<i32>} : memref<256xf32, #tpu.memory_space<vmem>>, vector<16xf32>,
      %add3A_230 = arith.addf %add3A_224, %get3A_229 : vector<16xf32>
      %get3A_231 = arith.constant 176 : index
      %get3A_232 = tpu.vector_load %arg18[%get3A_231] {strides = array<i32>} : memref<256xf32, #tpu.memory_space<vmem>>, vector<16xf32>,
      %add3A_233 = arith.addf %add3A_227, %get3A_232 : vector<16xf32>
      %get3A_234 = arith.constant 192 : index
      %get3A_235 = tpu.vector_load %arg17[%get3A_234] {strides = array<i32>} : memref<256xf32, #tpu.memory_space<vmem>>, vector<16xf32>,
      %add3A_236 = arith.addf %add3A_230, %get3A_235 : vector<16xf32>
      %get3A_237 = arith.constant 192 : index
      %get3A_238 = tpu.vector_load %arg18[%get3A_237] {strides = array<i32>} : memref<256xf32, #tpu.memory_space<vmem>>, vector<16xf32>,
      %add3A_239 = arith.addf %add3A_233, %get3A_238 : vector<16xf32>
      %get3A_240 = arith.constant 208 : index
      %get3A_241 = tpu.vector_load %arg17[%get3A_240] {strides = array<i32>} : memref<256xf32, #tpu.memory_space<vmem>>, vector<16xf32>,
      %add3A_242 = arith.addf %add3A_236, %get3A_241 : vector<16xf32>
      %get3A_243 = arith.constant 208 : index
      %get3A_244 = tpu.vector_load %arg18[%get3A_243] {strides = array<i32>} : memref<256xf32, #tpu.memory_space<vmem>>, vector<16xf32>,
      %add3A_245 = arith.addf %add3A_239, %get3A_244 : vector<16xf32>
      %get3A_246 = arith.constant 224 : index
      %get3A_247 = tpu.vector_load %arg17[%get3A_246] {strides = array<i32>} : memref<256xf32, #tpu.memory_space<vmem>>, vector<16xf32>,
      %add3A_248 = arith.addf %add3A_242, %get3A_247 : vector<16xf32>
      %get3A_249 = arith.constant 224 : index
      %get3A_250 = tpu.vector_load %arg18[%get3A_249] {strides = array<i32>} : memref<256xf32, #tpu.memory_space<vmem>>, vector<16xf32>,
      %add3A_251 = arith.addf %add3A_245, %get3A_250 : vector<16xf32>
      %get3A_252 = arith.constant 240 : index
      %get3A_253 = tpu.vector_load %arg17[%get3A_252] {strides = array<i32>} : memref<256xf32, #tpu.memory_space<vmem>>, vector<16xf32>,
      %add3A_254 = arith.addf %add3A_248, %get3A_253 : vector<16xf32>
      %get3A_255 = arith.constant 240 : index
      %get3A_256 = tpu.vector_load %arg18[%get3A_255] {strides = array<i32>} : memref<256xf32, #tpu.memory_space<vmem>>, vector<16xf32>,
      %add3A_257 = arith.addf %add3A_251, %get3A_256 : vector<16xf32>
      %swap3A_258 = arith.constant 0 : index
      %swap3A_259 = tpu.vector_load %arg16[%swap3A_258] {strides = array<i32>} : memref<16xf32, #tpu.memory_space<vmem>>, vector<16xf32>,
      tpu.vector_store %arg16[%swap3A_258], %add3A_254 {strides = array<i32>} : memref<16xf32, #tpu.memory_space<vmem>>, vector<16xf32>,
      %mul3A_260 = arith.constant 16 : i32
      %mul3A_261 = arith.muli %arg0, %mul3A_260 : i32
      "tpu.region"() ({
        %run_scoped3A = tpu.sem_alloc : memref<!tpu.dma_semaphore, #tpu.memory_space<semaphore_mem>>
        %dma_start3A = tpu.memref_slice %arg8[%mul3A_261] : memref<48xf32, #tpu.memory_space<hbm>> -> memref<16xf32, #tpu.memory_space<hbm>>
        %dma_start3A_267 = tpu.memref_slice %arg8[%mul3A_261] : memref<48xf32, #tpu.memory_space<hbm>> -> memref<16xf32, #tpu.memory_space<hbm>>
        tpu.enqueue_dma source(%arg16 : memref<16xf32, #tpu.memory_space<vmem>>) target(%dma_start3A_267 : memref<16xf32, #tpu.memory_space<hbm>>) target_semaphore(%run_scoped3A : memref<!tpu.dma_semaphore, #tpu.memory_space<semaphore_mem>>)
        %dma_wait3A = tpu.memref_slice %arg8[%mul3A_261] : memref<48xf32, #tpu.memory_space<hbm>> -> memref<16xf32, #tpu.memory_space<hbm>>
        %dma_wait3A_268 = tpu.memref_slice %arg8[%mul3A_261] : memref<48xf32, #tpu.memory_space<hbm>> -> memref<16xf32, #tpu.memory_space<hbm>>
        tpu.wait_dma2 semaphore(%run_scoped3A : memref<!tpu.dma_semaphore, #tpu.memory_space<semaphore_mem>>) src(%arg16 : memref<16xf32, #tpu.memory_space<vmem>>) dst(%dma_wait3A_268 : memref<16xf32, #tpu.memory_space<hbm>>)
        tpu.yield
      }) : () -> ()
      %eq3A_262 = arith.constant 0 : i32
      %eq3A_263 = arith.cmpi eq, %arg0, %eq3A_262 : i32
      %convert_element_type3A_264 = arith.extui %eq3A_263 : i1 to i32
      %cond3A_265 = arith.constant 0 : i32
      %cond3A_266 = arith.cmpi ne, %convert_element_type3A_264, %cond3A_265 : i32
      scf.if %cond3A_266 {
        %swap3A_267 = arith.constant 0 : index
        %swap3A_268 = tpu.vector_load %arg16[%swap3A_267] {strides = array<i32>} : memref<16xf32, #tpu.memory_space<vmem>>, vector<16xf32>,
        tpu.vector_store %arg16[%swap3A_267], %add3A_257 {strides = array<i32>} : memref<16xf32, #tpu.memory_space<vmem>>, vector<16xf32>,
        "tpu.region"() ({
          %run_scoped3A = tpu.sem_alloc : memref<!tpu.dma_semaphore, #tpu.memory_space<semaphore_mem>>
          %dma_start3A = arith.constant 32 : i32
          %dma_start3A_269 = tpu.memref_slice %arg8[%dma_start3A] : memref<48xf32, #tpu.memory_space<hbm>> -> memref<16xf32, #tpu.memory_space<hbm>>
          %dma_start3A_270 = arith.constant 32 : i32
          %dma_start3A_271 = tpu.memref_slice %arg8[%dma_start3A_270] : memref<48xf32, #tpu.memory_space<hbm>> -> memref<16xf32, #tpu.memory_space<hbm>>
          tpu.enqueue_dma source(%arg16 : memref<16xf32, #tpu.memory_space<vmem>>) target(%dma_start3A_271 : memref<16xf32, #tpu.memory_space<hbm>>) target_semaphore(%run_scoped3A : memref<!tpu.dma_semaphore, #tpu.memory_space<semaphore_mem>>)
          %dma_wait3A = arith.constant 32 : i32
          %dma_wait3A_272 = tpu.memref_slice %arg8[%dma_wait3A] : memref<48xf32, #tpu.memory_space<hbm>> -> memref<16xf32, #tpu.memory_space<hbm>>
          %dma_wait3A_273 = arith.constant 32 : i32
          %dma_wait3A_274 = tpu.memref_slice %arg8[%dma_wait3A_273] : memref<48xf32, #tpu.memory_space<hbm>> -> memref<16xf32, #tpu.memory_space<hbm>>
          tpu.wait_dma2 semaphore(%run_scoped3A : memref<!tpu.dma_semaphore, #tpu.memory_space<semaphore_mem>>) src(%arg16 : memref<16xf32, #tpu.memory_space<vmem>>) dst(%dma_wait3A_274 : memref<16xf32, #tpu.memory_space<hbm>>)
          tpu.yield
        }) : () -> ()
      } else {
      }
    } else {
    }
    return
  }
}

module attributes {stable_mosaic.version = 14 : i64} {
  func.func @_epilogue_body(%arg0: memref<48xf32, #tpu.memory_space<vmem>>, %arg1: memref<1xf32, #tpu.memory_space<vmem>>) attributes {dimension_semantics = [], scalar_prefetch = 0 : i64, scratch_operands = 0 : i64, tpu.core_type = #tpu.core_type<tc>} {
    %get3A = arith.constant 0 : index
    %get3A_0 = vector.load %arg0[%get3A] : memref<48xf32, #tpu.memory_space<vmem>>, vector<48xf32>
    %slice3A = vector.extract_strided_slice %get3A_0 {offsets = [0], sizes = [16], strides = [1]} : vector<48xf32> to vector<16xf32>
    %slice3A_1 = vector.extract_strided_slice %get3A_0 {offsets = [16], sizes = [16], strides = [1]} : vector<48xf32> to vector<16xf32>
    %slice3A_2 = vector.extract_strided_slice %get3A_0 {offsets = [32], sizes = [16], strides = [1]} : vector<48xf32> to vector<16xf32>
    %iota3A = tpu.iota {dimensions = array<i32: 1>} : vector<1x16xi32>
    %iota3A_3 = vector.shape_cast %iota3A : vector<1x16xi32> to vector<16xi32>
    %lt3A = arith.constant 12 : i32
    %lt3A_4 = vector.broadcast %lt3A : i32 to vector<16xi32>
    %lt3A_5 = arith.cmpi slt, %iota3A_3, %lt3A_4 : vector<16xi32>
    %broadcast_in_dim3A = arith.constant 0.000000e+00 : f32
    %broadcast_in_dim3A_6 = vector.broadcast %broadcast_in_dim3A : f32 to vector<16xf32>
    %add3A = arith.constant 1.000000e-07 : f32
    %add3A_7 = vector.broadcast %add3A : f32 to vector<16xf32>
    %add3A_8 = arith.addf %slice3A_2, %add3A_7 : vector<16xf32>
    %sqrt3A = math.sqrt %add3A_8 : vector<16xf32>
    %select_n3A = arith.select %lt3A_5, %sqrt3A, %broadcast_in_dim3A_6 : vector<16xi1>, vector<16xf32>
    %add3A_9 = arith.constant 1.000000e-07 : f32
    %add3A_10 = vector.broadcast %add3A_9 : f32 to vector<16xf32>
    %add3A_11 = arith.addf %slice3A_1, %add3A_10 : vector<16xf32>
    %sqrt3A_12 = math.sqrt %add3A_11 : vector<16xf32>
    %sub3A = arith.constant 5.000000e-01 : f32
    %sub3A_13 = vector.broadcast %sub3A : f32 to vector<16xf32>
    %sub3A_14 = arith.subf %sub3A_13, %sqrt3A_12 : vector<16xf32>
    %max3A = arith.constant 0.000000e+00 : f32
    %max3A_15 = vector.broadcast %max3A : f32 to vector<16xf32>
    %max3A_16 = arith.maximumf %max3A_15, %sub3A_14 : vector<16xf32>
    %select_n3A_17 = arith.select %lt3A_5, %max3A_16, %broadcast_in_dim3A_6 : vector<16xi1>, vector<16xf32>
    %add3A_18 = arith.constant 1.000000e-07 : f32
    %add3A_19 = vector.broadcast %add3A_18 : f32 to vector<16xf32>
    %add3A_20 = arith.addf %slice3A, %add3A_19 : vector<16xf32>
    %sqrt3A_21 = math.sqrt %add3A_20 : vector<16xf32>
    %sub3A_22 = arith.constant 5.000000e-01 : f32
    %sub3A_23 = vector.broadcast %sub3A_22 : f32 to vector<16xf32>
    %sub3A_24 = arith.subf %sub3A_23, %sqrt3A_21 : vector<16xf32>
    %max3A_25 = arith.constant 0.000000e+00 : f32
    %max3A_26 = vector.broadcast %max3A_25 : f32 to vector<16xf32>
    %max3A_27 = arith.maximumf %max3A_26, %sub3A_24 : vector<16xf32>
    %select_n3A_28 = arith.select %lt3A_5, %max3A_27, %broadcast_in_dim3A_6 : vector<16xi1>, vector<16xf32>
    %add3A_29 = arith.addf %select_n3A, %select_n3A_17 : vector<16xf32>
    %add3A_30 = arith.addf %add3A_29, %select_n3A_28 : vector<16xf32>
    %reduce_sum3A = vector.shape_cast %add3A_30 : vector<16xf32> to vector<1x16xf32>
    %reduce_sum3A_31 = arith.constant dense<0.000000e+00> : vector<1xf32>
    %reduce_sum3A_32 = vector.multi_reduction <add>, %reduce_sum3A, %reduce_sum3A_31 [1] : vector<1x16xf32> to vector<1xf32>
    %reduce_sum3A_33 = vector.shape_cast %reduce_sum3A_32 : vector<1xf32> to vector<1x1xf32>
    %reduce_sum3A_34 = vector.extract %reduce_sum3A_33[0, 0] : f32 from vector<1x1xf32>
    %broadcast_in_dim3A_35 = vector.broadcast %reduce_sum3A_34 : f32 to vector<1xf32>
    %div3A = arith.constant 1.200000e+01 : f32
    %div3A_36 = vector.broadcast %div3A : f32 to vector<1xf32>
    %div3A_37 = arith.divf %broadcast_in_dim3A_35, %div3A_36 : vector<1xf32>
    %swap3A = arith.constant 0 : index
    %swap3A_38 = vector.load %arg1[%swap3A] : memref<1xf32, #tpu.memory_space<vmem>>, vector<1xf32>
    tpu.vector_store %arg1[%swap3A], %div3A_37 {strides = array<i32>} : memref<1xf32, #tpu.memory_space<vmem>>, vector<1xf32>,
    return
  }
}

</mosaic_0001>

<sc_bundles>
// kernel: kernel.4.cloned.1.call-start
scs
__scs_entry_jumppad:
0x0: {  	(pc) =	sbr.rel $0x88, $3  }
0x1: {  	(tag) =	ssettag $0x0;
	lr =	simm.s32 $0x1  }
0x2: {  	[smem:$0x3F9F] =	sst lr;
	_ =	strace $0xD0000000  }
0x3: {  	_ = 	snop  }
0x4: {  	_ = 	snop  }
0x5: {  	_ = 	snop  }
0x6: {  	_ = 	snop  }
0x7: {  	_ = 	snop  }
__scs_overlays_trampoline_lowered:
0x8: {  	[smem:$0x3FAE] =	sst s0  }
0x9: {  	[smem:$0x3FAF] =	sst s1  }
0xa: {  	[smem:$0x3FB0] =	sst s2  }
0xb: {  	[smem:$0x3FB1] =	sst s3  }
0xc: {  	[smem:$0x3FB2] =	sst s4  }
0xd: {  	[smem:$0x3FB3] =	sst s5  }
0xe: {  	[smem:$0x3FB4] =	sst s6  }
0xf: {  	[smem:$0x3FB5] =	sst s7  }
0x10: {  	[smem:$0x3FB6] =	sst s8  }
0x11: {  	[smem:$0x3FB7] =	sst s9;
	s0 =	simm.s32 @!p0 $0x0  }
0x12: {  	s1 =	sld [smem:$0x3F9D];
	s0 =	simm.s32 @p0 $0x1  }
0x13: {  	[smem:$0x3FB8] =	sst s0;
	s0 =	simm.s32 @!p1 $0x0  }
0x14: {  	s2 =	sld [smem:$0x3F9C];
	s0 =	simm.s32 @p1 $0x1  }
0x15: {  	[smem:$0x3FB9] =	sst s0;
	s0 =	simm.s32 @!p2 $0x0  }
0x16: {  	s3 =	sld [smem:$0x3FDB];
	s0 =	simm.s32 @p2 $0x1  }
0x17: {  	s4 =	simm.s32 $0x1BF5;
	[smem:$0x3FBB] =	sst s0  }
0x18: {  	s0 =	sld [smem:$0x3F9E];
	_ =	swait.ge [sflag:s4], $0x0  }
0x19: {  	s7 =	sld [smem:$0x3F9F]  }
0x1a: {  	s8 =	sadd.s32 $0xFFFFE003, lr  }
0x1b: {  	s9 =	sadd.s32 $0xFFFFFEF7, lr;
	s5 =	simm.s32 $0xFFFFFFFF;
	p2 =	slt.u32 s8, $0xFFFFF086  }
0x1c: {  	p1 =	slt.u32 s9, $0xF7A;
	s5 =	simm.s32 @!p2 $0x0  }
0x1d: {  	s5 =	simm.s32 @p1 $0x1;
	p0 =	seq.s32 s7, s2  }
0x1e: {  	s7 =	smul.u32 @!p0 $0xF7A, s2;
	p2 =	seq.s32 @!p0 s5, $0x0  }
0x1f: {  	s9 =	smul.u32 $0xF7A, s1;
	s8 =	simm.s32 @!p0 $0x1BF5;
	p2 =	por !p2, p0  }
0x20: {  	[sflag:s8] =	ssyncset.s32 @!p0 $0xFFFFF086;
	s6 =	sadd.s32 @!p0 s3, s7;
	s7 =	simm.s32 @!p0 $0x108  }
0x21: {  	s3 =	sadd.s32 s3, s9;
	s6 =	sadd.s32 @!p0 $0x88, s6;
	s7 =	simm.s32 @p2 $0x1082  }
0x22: {  	[simem:s7], [sflag:s8] =	dma.local @!p0 [hbm:s6], $0xF7A  }
0x23: {  	s9 =	sor.u32 $0xD0000000, s2;
	s6 =	simm.s32 $0x108;
	_ =	swait.ge @!p0 [sflag:s8], $0x0  }
0x24: {  	s3 =	sadd.s32 $0x88, s3;
	s6 =	simm.s32 @!p1 $0x1082;
	[sflag:s4] =	ssyncset.s32 $0xFFFFF086  }
0x25: {  	[simem:s6], [sflag:s4] =	dma.local [hbm:s3], $0xF7A  }
0x26: {  	[smem:$0x3F9F] =	sst s1;
	(tag) =	ssettag s2;
	_ =	strace s9  }
0x27: {  	s1 =	sld [smem:$0x3FAF]  }
0x28: {  	s2 =	sld [smem:$0x3FB0]  }
0x29: {  	s4 =	sld [smem:$0x3FB2]  }
0x2a: {  	p0 =	seq.s32 s5, $0x0;
	s5 =	sld [smem:$0x3FB3]  }
0x2b: {  	s6 =	sld [smem:$0x3FB4]  }
0x2c: {  	s7 =	sld [smem:$0x3FB5]  }
0x2d: {  	s3 =	simm.s32 $0x108;
	s8 =	sld [smem:$0x3FB6]  }
0x2e: {  	s3 =	simm.s32 @!p0 $0x1082;
	s9 =	sld [smem:$0x3FB7]  }
0x2f: {  	lr =	sadd.s32 s0, s3;
	s0 =	sld [smem:$0x3FAE]  }
0x30: {  	s3 =	sld [smem:$0x3FB1]  }
0x31: {  	[smem:$0x3FBA] =	sst s10  }
0x32: {  	s10 =	sld [smem:$0x3FB8];
	_ =	sdelay $0x3  }
0x33: {  	p0 =	seq.s32 s10, $0x1;
	s10 =	sld [smem:$0x3FBA];
	_ =	sdelay $0x3  }
0x34: {  	[smem:$0x3FBA] =	sst s10  }
0x35: {  	s10 =	sld [smem:$0x3FB9];
	_ =	sdelay $0x3  }
0x36: {  	p1 =	seq.s32 s10, $0x1;
	s10 =	sld [smem:$0x3FBA];
	_ =	sdelay $0x3  }
0x37: {  	[smem:$0x3FBA] =	sst s10  }
0x38: {  	s10 =	sld [smem:$0x3FBB]  }
0x39: {  	_ = 	snop;
	(pc) =	sbr.ind lr, $3  }
0x3a: {  	_ = 	snop  }
0x3b: {  	_ = 	snop  }
0x3c: {  	p2 =	seq.s32 s10, $0x1;
	s10 =	sld [smem:$0x3FBA]  }
0x3d: {  	_ =	shalt  }
0x3e: {  	_ =	shalt  }
0x3f: {  	_ =	shalt  }
0x40: {  	_ =	shalt  }
0x41: {  	_ =	shalt  }
0x42: {  	_ =	shalt  }
0x43: {  	_ =	shalt  }
0x44: {  	_ =	shalt  }
0x45: {  	_ =	shalt  }
0x46: {  	_ =	shalt  }
0x47: {  	_ =	shalt  }
0x48: {  	_ =	shalt  }
0x49: {  	_ =	shalt  }
0x4a: {  	_ =	shalt  }
0x4b: {  	_ =	shalt  }
0x4c: {  	_ =	shalt  }
0x4d: {  	_ =	shalt  }
0x4e: {  	_ =	shalt  }
0x4f: {  	_ =	shalt  }
0x50: {  	_ =	shalt  }
0x51: {  	_ =	shalt  }
0x52: {  	_ =	shalt  }
0x53: {  	_ =	shalt  }
0x54: {  	_ =	shalt  }
0x55: {  	_ =	shalt  }
0x56: {  	_ =	shalt  }
0x57: {  	_ =	shalt  }
0x58: {  	_ =	shalt  }
0x59: {  	_ =	shalt  }
0x5a: {  	_ =	shalt  }
0x5b: {  	_ =	shalt  }
0x5c: {  	_ =	shalt  }
0x5d: {  	_ =	shalt  }
0x5e: {  	_ =	shalt  }
0x5f: {  	_ =	shalt  }
0x60: {  	_ =	shalt  }
0x61: {  	_ =	shalt  }
0x62: {  	_ =	shalt  }
0x63: {  	_ =	shalt  }
0x64: {  	_ =	shalt  }
0x65: {  	_ =	shalt  }
0x66: {  	_ =	shalt  }
0x67: {  	_ =	shalt  }
0x68: {  	_ =	shalt  }
0x69: {  	_ =	shalt  }
0x6a: {  	_ =	shalt  }
0x6b: {  	_ =	shalt  }
0x6c: {  	_ =	shalt  }
0x6d: {  	_ =	shalt  }
0x6e: {  	_ =	shalt  }
0x6f: {  	_ =	shalt  }
0x70: {  	_ =	shalt  }
0x71: {  	_ =	shalt  }
0x72: {  	_ =	shalt  }
0x73: {  	_ =	shalt  }
0x74: {  	_ =	shalt  }
0x75: {  	_ =	shalt  }
0x76: {  	_ =	shalt  }
0x77: {  	_ =	shalt  }
0x78: {  	_ =	shalt  }
0x79: {  	_ =	shalt  }
0x7a: {  	_ =	shalt  }
0x7b: {  	_ =	shalt  }
0x7c: {  	_ =	shalt  }
0x7d: {  	_ =	shalt  }
0x7e: {  	_ =	shalt  }
0x7f: {  	_ =	shalt  }
0x80: {  	_ =	shalt  }
0x81: {  	_ =	shalt  }
0x82: {  	_ =	shalt  }
0x83: {  	_ =	shalt  }
0x84: {  	_ =	shalt  }
0x85: {  	_ =	shalt  }
0x86: {  	_ =	shalt  }
0x87: {  	_ =	shalt  }
.Lfunc_end0:
.L_simem_size_0:
called_computation_lowered:
.L_overlay_start_0:
0x88: {  	s2 =	sld [smem:$0x3FD9]  }
0x89: {  	s3 =	sld [smem:$0x3FFE];
	_ =	sdelay $0x1  }
0x8a: {  	s1 =	srdreg.scid  }
0x8b: {  	s0 =	sand.u32 $0x1, s1  }
0x8c: {  	s17 =	sshll.u32 s0, $0xA;
	s2 =	sadd.s32 s3, s2  }
0x8d: {  	s2 =	sadd.s32 s2, s17  }
0x8e: {  	[smem:$0x3FC6] =	sst s2  }
0x8f: {  	_ = 	snop  }
0x90: {  	s2 =	sld [smem:$0x3FD0];
	(tm) =	ssettm $0x1  }
0x91: {  	s18 =	sld [smem:$0x3FFB];
	_ =	sdelay $0x3  }
0x92: {  	_ =	strace s18  }
0x93: {  	s3 =	sld [smem:$0x3FFC];
	_ =	sdelay $0x3  }
0x94: {  	_ =	strace s3  }
0x95: {  	s3 =	sld [smem:$0x3FFD];
	_ =	sdelay $0x3  }
0x96: {  	_ =	strace s3  }
0x97: {  	_ =	strace $0x8FFFFFFF  }
0x98: {  	s19 =	sld [smem:$0x3FDB];
	_ =	sdelay $0x1  }
0x99: {  	s4 =	simm.s32 $_scs_section_size  }
0x9a: {  	s5 =	simm.s32 $_size__tile_overlayer_lowered;
	s6 =	simm.s32 $_tile_overlayer_lowered  }
0x9b: {  	s22 =	simm.s32 $0x1BFF;
	s21 =	sshll.u32 s6, $0x1;
	s3 =	sadd.s32 s4, s19  }
0x9c: {  	s7 =	simm.s32 $0x0;
	s20 =	sshll.u32 s5, $0x1;
	s5 =	sadd.s32 s21, s3  }
0x9d: {  	[timem:s7], [sflag:s22] =	dma.local [hbm:s5], s20  }
0x9e: {  	_ =	swait.ge [sflag:s22], s20  }
0x9f: {  	s4 =	ssub.s32 $0x0, s20;
	[sflag:s22] =	ssyncset.done $0x0  }
0xa0: {  	[sflag:s22] =	ssyncadd.s32 s4;
	_ =	sdelay $0x1  }
0xa1: {  	s23 =	simm.s32 $0x1B8B  }
0xa2: {  	_ =	swait.ge [sflag:s23], $0x1  }
0xa3: {  	[sflag:s23] =	ssyncset.done $0x0  }
0xa4: {  	s25 =	simm.s32 $0x1B8E;
	s24 =	sld [smem:$0x3FFE];
	[sflag:s23] =	ssyncadd.s32 $0xFFFFFFFF  }
0xa5: {  	s26 =	simm.s32 $execute0_lowered;
	[smem:$0x3FD2] =	sst s25  }
0xa6: {  	s5 =	sshll.u32 s26, $0x1;
	_ =	strace $0x80000046;
	[dreg:$0x1] =	wrdreg $0xFFFFFFFF  }
0xa7: {  	s28 =	simm.s32 $_size_execute0_lowered;
	s3 =	sadd.s32 s3, s5;
	[dreg:$0x0] =	wrdreg $0x0  }
0xa8: {  	s5 =	sshll.u32 s28, $0x1;
	[dreg:$0x2] =	wrdreg s3  }
0xa9: {  	[dreg:$0x3] =	wrdreg s5  }
0xaa: {  	[dreg:$0x4] =	wrdreg $0xC0  }
0xab: {  	_ =	task [dreg:s7], $0x5FFFF  }
0xac: {  	[dreg:$0x1] =	wrdreg $0xFFFFFFFF  }
0xad: {  	[dreg:$0x0] =	wrdreg $0x60  }
0xae: {  	[dreg:$0x2] =	wrdreg s24  }
0xaf: {  	[dreg:$0x3] =	wrdreg s2  }
0xb0: {  	[dreg:$0x4] =	wrdreg $0xE4800  }
0xb1: {  	[dreg:$0x5] =	wrdreg $0xE6D00  }
0xb2: {  	[dreg:$0x6] =	wrdreg $0xE6C00  }
0xb3: {  	[dreg:$0x7] =	wrdreg $0x9  }
0xb4: {  	_ =	task.clear_ibuf [dreg:s7], $0x8FFFF;
	_ =	strace $0x90000046  }
0xb5: {  	s29 =	simm.s32 $0x9;
	_ =	strace $0x80000048  }
0xb6: {  	_ =	swait.ge [sflag:s29], $0x1  }
0xb7: {  	[sflag:s29] =	ssyncadd.s32 $0xFFFFFFFF  }
0xb8: {  	_ =	strace $0x90000048  }
0xb9: {  	_ =	sfence  }
0xba: {  	s30 =	sld [smem:$0x0];
	_ =	sdelay $0x2  }
0xbb: {  	s31 =	sshll.u32 s1, $0xD;
	s1 =	sshrl.u32 s1, $0x2  }
0xbc: {  	s3 =	sand.u32 $0x4000, s31;
	s1 =	sadd.s32 s1, s30  }
0xbd: {  	s0 =	sor.u32 s3, s0;
	s1 =	sshll.u32 s1, $0x11  }
0xbe: {  	s0 =	sor.u32 s1, s0  }
0xbf: {  	s0 =	sadd.s32 $0x8F2B, s0  }
0xc0: {  	[sflag:s0] =	ssyncadd.remote.s32 $0x1  }
0xc1: {  	_ =	sfence.sel $0xFFFF  }
0xc2: {  	[dreg:$0x0] =	wrdreg $0xFFFFFFFF;
	(pc) =	sbr.abs _section_cstart, $3  }
0xc3: {  	[dreg:$0x1] =	wrdreg $0xFFFFFFFF  }
0xc4: {  	_ =	task.clear_ibuf [dreg:s7], $0x2FFFF;
	_ =	strace $0x9FFFFFFF  }
0xc5: {  	(tm) =	ssettm $0x7FFFFFFF  }
tec
execute0_lowered:
.L_overlay_start_1:
0x0: {  	(tag) =	ssettag $0x1  }
0x1: {  	s0 =	rddreg [dreg:$0x0]  }
0x2: {  	s5 =	rddreg [dreg:$0x2]  }
0x3: {  	s1 =	srdreg.scid;
	s11 =	rddreg [dreg:$0x3]  }
0x4: {  	s13 =	rddreg [dreg:$0x4];
	s3 =	stileid.u32;
	s6 =	simm.s32 $0x0  }
0x5: {  	s31 =	simm.s32 $0xBC80;
	s1 =	sand.u32 $0x1, s1;
	[smem:$0x7FF] =	sst s6  }
0x6: {  	s7 =	sadd.s32 $0x1000, s0;
	s8 =	sadd.s32 $0x61000, s0;
	s9 =	sadd.s32 $0xC1200, s0  }
0x7: {  	s12 =	sadd.s32 $0xC1000, s0;
	s17 =	sshll.u32 s3, $0x7;
	p0 =	slt.u32 s3, $0x4  }
0x8: {  	p2 =	slt.u32 s3, $0xC;
	s21 =	smul.u32 $0x600, s3;
	s23 =	sshll.u32 s3, $0x4  }
0x9: {  	p3 =	sgt.u32 s3, $0x7;
	s2 =	sshll.u32 s1, $0x4;
	s4 =	ssub.s32 $0x2, s1  }
0xa: {  	s16 =	sshll.u32 s1, $0x1;
	s18 =	sadd.s32 $0x9880, s17;
	s14 =	sadd.s32 s17, s5  }
0xb: {  	s19 =	sadd.s32 $0xA080, s17;
	p1 =	seq.s32 s1, $0x0;
	s20 =	sadd.s32 $0xA880, s17  }
0xc: {  	s22 =	sadd.s32 $0xB080, s17;
	s24 =	sadd.s32 s23, s11;
	s25 =	sadd.s32 s23, s13  }
0xd: {  	s23 =	smov.u32 s7;
	[dreg:$0x6] =	wrdreg s2;
	s2 =	sor.u32 s3, s2  }
0xe: {  	s10 =	sshrl.u32 s4, $0x1;
	_ =	strace $0x80000047;
	[dreg:$0x7] =	wrdreg s9  }
0xf: {  	p1 =	por !p1, !p2;
	s23 =	smov.u32 @p0 s8;
	[dreg:$0x8] =	wrdreg s12  }
0x10: {  	p2 =	sne.s32 s3, $0x0;
	s28 =	sadd.s32 $0x1000, s14;
	[dreg:$0xa] =	wrdreg s18  }
0x11: {  	s29 =	sadd.s32 $0x1800, s14;
	s30 =	sadd.s32 $0x2000, s14;
	[dreg:$0xb] =	wrdreg s19  }
0x12: {  	v1 =	vmov s3;
	s3 =	simm.s32 $0xE200;
	s2 =	smul.u32 $0x30A, s2;
	[dreg:$0xc] =	wrdreg s20  }
0x13: {  	s9 =	sadd.s32 s16, s0;
	s4 =	ssub.s32 s4, s10;
	[dreg:$0xd] =	wrdreg s22  }
0x14: {  	s12 =	sshll.u32 s1, $0x5;
	p1 =	por !p1, !p1;
	[dreg:$0xf] =	wrdreg s24  }
0x15: {  	s19 =	sshrl.u32 s21, $0x2;
	[dreg:$0x10] =	wrdreg s25;
	s24 =	simm.s32 $0x80  }
0x16: {  	s22 =	simm.s32 $0x1;
	s26 =	sadd.s32 $0xC7A00, s9;
	s25 =	smax.u32 s4, $0x1  }
0x17: {  	s2 =	sadd.s32 s2, s0;
	[dreg:$0x11] =	wrdreg s26;
	s0 =	sadd.s32 $0xC7A04, s0  }
.Ltmp0:
0x18: {  	s2 =	sadd.s32 $0xC1800, s2;
	[dreg:$0x12] =	wrdreg s0;
	(pc) =	sbr.rel .LBB2_1-.Ltmp0, $4  }
0x19: {  	s4 =	simm.s32 $0x0;
	[dreg:$0x9] =	wrdreg s2;
	s2 =	sadd.s32 $0xB880, s17  }
0x1a: {  	s26 =	sadd.s32 $0x800, s14;
	[dreg:$0xe] =	wrdreg s2;
	s2 =	simm.s32 @!p1 $0x0  }
0x1b: {  	v0 =	vlaneseq.u32;
	s0 =	simm.s32 $0xE080;
	s2 =	simm.s32 @p1 $0x1;
	p1 =	sne.s32 s1, $0x0  }
0x1c: {  	vm1 =	vmmov $0xfff;
	vm0 =	veq.s32 v1, v0;
	v1 =	vimm.f32 $0.0e+00;
	s1 =	simm.s32 $0x2;
	[smem:$0x7FD] =	sst s2;
	s2 =	simm.s32 $0x3  }
.LBB2_28:
0x1d: {  	[tilespmem:$0xE200] =	vst v2;
	s5 =	rddreg [dreg:$0x10]  }
0x1e: {  	[spmem:s5] =	stream.linear.scatter [tilespmem:s3], [sflag:$0x3], $0x10, $0x38;
	[tilespmem:$0xE6E0] =	vst v63  }
.Ltmp1:
0x1f: {  	_ =	swait.ge [sflag:s2], $0x10;
	(pc) =	sbr.rel @!p2 .LBB2_29-.Ltmp1, $3  }
0x20: {  	[sflag:s2] =	ssyncset.done $0x0  }
0x21: {  	[sflag:s2] =	ssyncadd.s32 $0xFFFFFFF0  }
0x22: {  	[bflag:$0x0] =	sbarrier.arrive $0xFFFF;
	_ =	sdelay $0x1  }
.LBB2_30:
0x23: {  	s4 =	sadd.s32 $0x1, s4  }
0x24: {  	p0 =	sne.s32 s4, s25  }
.Ltmp2:
0x25: {  	_ = 	snop;
	(pc) =	sbr.rel @!p0 .LBB2_31-.Ltmp2, $1  }
0x26: {  	_ =	sdelay $0x3  }
.LBB2_1:
0x27: {  	s5 =	rddreg [dreg:$0x9];
	s9 =	simm.s32 $0x8000  }
0x28: {  	[tilespmem:s9], [sflag:$0x3] =	stream.linear.gather [hbm4b:s5+s6], $0x1850, $0x38;
	[tilespmem:$0xE6E0] =	vst v63  }
0x29: {  	_ =	swait.ge [sflag:s2], $0x1850  }
0x2a: {  	[sflag:s2] =	ssyncset.done $0x0  }
0x2b: {  	s18 =	simm.s32 $0x9880;
	s17 =	rddreg [dreg:$0x7];
	[sflag:s2] =	ssyncadd.s32 $0xFFFFE7B0  }
0x2c: {  	[tilespmem:s18], [sflag:$0x3] =	stream.linear.gather [hbm4b:s17+s6], $0x2400, $0x38;
	[tilespmem:$0xE6E0] =	vst v63  }
0x2d: {  	_ =	swait.ge [sflag:s2], $0x2400  }
0x2e: {  	[sflag:s2] =	ssyncset.done $0x0  }
0x2f: {  	[sflag:s2] =	ssyncadd.s32 $0xFFFFDC00  }
0x30: {  	s21 =	simm.s32 $0xE100;
	s20 =	rddreg [dreg:$0x1]  }
0x31: {  	[tilespmem:s21], [sflag:$0x3] =	stream.linear.gather [hbm4b:s20+s6], $0x80, $0x38;
	[tilespmem:$0xE6E0] =	vst v63  }
0x32: {  	_ =	swait.ge [sflag:s2], $0x80  }
0x33: {  	[sflag:s2] =	ssyncset.done $0x0  }
0x34: {  	s10 =	simm.s32 $0xE180;
	s9 =	rddreg [dreg:$0x8];
	[sflag:s2] =	ssyncadd.s32 $0xFFFFFF80  }
0x35: {  	[tilespmem:s10], [sflag:$0x3] =	stream.linear.gather [hbm4b:s9+s6], $0x80, $0x38;
	[tilespmem:$0xE6E0] =	vst v63  }
0x36: {  	_ =	swait.ge [sflag:s2], $0x80  }
0x37: {  	[sflag:s2] =	ssyncset.done $0x0  }
0x38: {  	s11 =	rddreg [dreg:$0x6];
	[sflag:s2] =	ssyncadd.s32 $0xFFFFFF80  }
0x39: {  	v2 =	vld [tilespmem:s11+$0xE100]  }
0x3a: {  	v3 =	vld [tilespmem:s12+$0xE180]  }
0x3b: {  	v4 =	vld [tilespmem:s12+$0xE190];
	_ =	sdelay $0x2  }
0x3c: {  	v2 =	vnsel vm0, $0x0, v2  }
0x3d: {  	(xrf0) =	vadd.scan.msk.s32 $0xffff, v2;
	v2 =	vnsel vm0, $0x0, v3  }
0x3e: {  	(xrf0) =	vadd.scan.msk.s32 $0xffff, v2;
	v2 =	vnsel vm0, $0x0, v4  }
0x3f: {  	(xrf0) =	vadd.scan.msk.s32 $0xffff, v2;
	_ =	sdelay $0x3  }
0x40: {  	v2, _, _ =	vpop (xrf0)  }
0x41: {  	v3, _, _ =	vpop (xrf0);
	(v2sf) =	vpush v2, $0xF  }
0x42: {  	(v2sf) =	vpush v3, $0xF;
	v2, _, _ =	vpop (xrf0)  }
0x43: {  	(v2sf) =	vpush v2, $0xF;
	_ =	sdelay $0xa  }
0x44: {  	s13 =	rddreg [dreg:$0xa]  }
0x45: {  	[tilespmem:s0], [sflag:$0x2] =	stream.indirect.gather [hbm4b:s8+s24], $0x1, s13, s24, $0xb8;
	[tilespmem:$0xE6E0] =	vst v63  }
0x46: {  	s16 =	spop (v2sf)  }
0x47: {  	s9 =	spop (v2sf)  }
0x48: {  	s10 =	spop (v2sf)  }
0x49: {  	_ =	swait.ge [sflag:s1], $0x80  }
0x4a: {  	[sflag:s1] =	ssyncset.done $0x0  }
0x4b: {  	[sflag:s1] =	ssyncadd.s32 $0xFFFFFF80  }
0x4c: {  	[spmem:s14] =	stream.linear.scatter [tilespmem:s0], [sflag:$0x3], $0x80, $0x38;
	[tilespmem:$0xE6E0] =	vst v63  }
0x4d: {  	_ =	swait.ge [sflag:s2], $0x80  }
0x4e: {  	[sflag:s2] =	ssyncset.done $0x0  }
0x4f: {  	s15 =	rddreg [dreg:$0xb];
	[sflag:s2] =	ssyncadd.s32 $0xFFFFFF80  }
0x50: {  	[tilespmem:s0], [sflag:$0x2] =	stream.indirect.gather [hbm4b:s8+s24], $0x1, s15, s24, $0xb8;
	[tilespmem:$0xE6E0] =	vst v63  }
0x51: {  	_ =	swait.ge [sflag:s1], $0x80  }
0x52: {  	[sflag:s1] =	ssyncset.done $0x0  }
0x53: {  	[sflag:s1] =	ssyncadd.s32 $0xFFFFFF80  }
0x54: {  	[spmem:s26] =	stream.linear.scatter [tilespmem:s0], [sflag:$0x3], $0x80, $0x38;
	[tilespmem:$0xE6E0] =	vst v63  }
0x55: {  	_ =	swait.ge [sflag:s2], $0x80  }
0x56: {  	[sflag:s2] =	ssyncset.done $0x0  }
0x57: {  	s17 =	rddreg [dreg:$0xc];
	[sflag:s2] =	ssyncadd.s32 $0xFFFFFF80  }
0x58: {  	[tilespmem:s0], [sflag:$0x2] =	stream.indirect.gather [hbm4b:s23+s24], $0x1, s17, s24, $0xb8;
	[tilespmem:$0xE6E0] =	vst v63  }
0x59: {  	_ =	swait.ge [sflag:s1], $0x80  }
0x5a: {  	[sflag:s1] =	ssyncset.done $0x0  }
0x5b: {  	[sflag:s1] =	ssyncadd.s32 $0xFFFFFF80  }
0x5c: {  	[spmem:s28] =	stream.linear.scatter [tilespmem:s0], [sflag:$0x3], $0x80, $0x38;
	[tilespmem:$0xE6E0] =	vst v63  }
0x5d: {  	_ =	swait.ge [sflag:s2], $0x80  }
0x5e: {  	[sflag:s2] =	ssyncset.done $0x0  }
0x5f: {  	s18 =	rddreg [dreg:$0xd];
	[sflag:s2] =	ssyncadd.s32 $0xFFFFFF80  }
0x60: {  	[tilespmem:s0], [sflag:$0x2] =	stream.indirect.gather [hbm4b:s7+s24], $0x1, s18, s24, $0xb8;
	[tilespmem:$0xE6E0] =	vst v63  }
0x61: {  	_ =	swait.ge [sflag:s1], $0x80  }
0x62: {  	[sflag:s1] =	ssyncset.done $0x0  }
0x63: {  	[sflag:s1] =	ssyncadd.s32 $0xFFFFFF80  }
0x64: {  	[spmem:s29] =	stream.linear.scatter [tilespmem:s0], [sflag:$0x3], $0x80, $0x38;
	[tilespmem:$0xE6E0] =	vst v63  }
0x65: {  	_ =	swait.ge [sflag:s2], $0x80  }
0x66: {  	s11 =	simm.s32 @!p3 $0x80;
	[sflag:s2] =	ssyncset.done $0x0  }
0x67: {  	s13 =	simm.s32 @!p3 $0xE080;
	s5 =	rddreg [dreg:$0xe];
	[sflag:s2] =	ssyncadd.s32 $0xFFFFFF80  }
0x68: {  	[tilespmem:s13], [sflag:$0x2] =	stream.indirect.gather @!p3 [hbm4b:s7+s11], $0x1, s5, s11, $0xb8;
	[tilespmem:$0xE6E0] =	vst v63  }
0x69: {  	s11 =	simm.s32 @!p3 $0x2  }
0x6a: {  	_ =	swait.ge @!p3 [sflag:s11], $0x80  }
0x6b: {  	[sflag:s11] =	ssyncset.done @!p3 $0x0  }
0x6c: {  	[sflag:s11] =	ssyncadd.s32 @!p3 $0xFFFFFF80;
	s11 =	simm.s32 @!p3 $0x3  }
0x6d: {  	[spmem:s30] =	stream.linear.scatter @!p3 [tilespmem:s13], [sflag:$0x3], $0x80, $0x38;
	[tilespmem:$0xE6E0] =	vst v63  }
0x6e: {  	_ =	swait.ge @!p3 [sflag:s11], $0x80  }
0x6f: {  	[sflag:s11] =	ssyncset.done @!p3 $0x0  }
0x70: {  	[sflag:s11] =	ssyncadd.s32 @!p3 $0xFFFFFF80  }
0x71: {  	[bflag:$0x0] =	sbarrier.arrive $0xFFFF  }
0x72: {  	s20 =	rddreg [dreg:$0x2]  }
0x73: {  	[tilespmem:s31], [sflag:$0x3] =	stream.linear.gather [spmem:s20], $0x2400, $0x38;
	[tilespmem:$0xE6E0] =	vst v63  }
0x74: {  	_ =	swait.ge [sflag:s2], $0x2400  }
0x75: {  	s21 =	sld [smem:$0x7FD];
	_ =	sdelay $0x2  }
0x76: {  	p0 =	seq.s32 s21, $0x1  }
.Ltmp3:
0x77: {  	_ = 	snop;
	(pc) =	sbr.rel @!p0 .LBB2_3-.Ltmp3, $4  }
0x78: {  	_ = 	snop  }
0x79: {  	[sflag:s2] =	ssyncset.done $0x0  }
0x7a: {  	[sflag:s2] =	ssyncadd.s32 $0xFFFFDC00  }
0x7b: {  	[tilespmem:$0xE200] =	vst v1  }
0x7c: {  	v2 =	vld [tilespmem:s19+$0xCE80]  }
0x7d: {  	v3 =	vld [tilespmem:s19+$0xBC80]  }
0x7e: {  	v4 =	vld [tilespmem:s19+$0xCE90]  }
0x7f: {  	v5 =	vld [tilespmem:s19+$0xBC90]  }
0x80: {  	v6 =	vld [tilespmem:s19+$0xCEA0]  }
0x81: {  	v7 =	vld [tilespmem:s19+$0xBCA0]  }
0x82: {  	v8 =	vld [tilespmem:s19+$0xCEB0]  }
0x83: {  	v9 =	vld [tilespmem:s19+$0xBCB0]  }
0x84: {  	v10 =	vld [tilespmem:s19+$0xCEC0]  }
0x85: {  	v21 =	vld [tilespmem:s19+$0xBCC0];
	v2 =	vsub.f32 v2, v3;
	v3 =	vsub.f32 v4, v5  }
0x86: {  	v22 =	vld [tilespmem:s19+$0xCED0]  }
0x87: {  	v23 =	vld [tilespmem:s19+$0xBCD0];
	v6 =	vsub.f32 v6, v7;
	v2 =	vmul.f32 v2, v2;
	v3 =	vmul.f32 v3, v3  }
0x88: {  	v11 =	vld [tilespmem:s19+$0xCEE0]  }
0x89: {  	v25 =	vld [tilespmem:s19+$0xBCE0];
	v24 =	vsub.f32 v8, v9;
	v2 =	vadd.f32 v3, v2;
	v3 =	vmul.f32 v6, v6  }
0x8a: {  	v26 =	vld [tilespmem:s19+$0xCEF0]  }
0x8b: {  	v27 =	vld [tilespmem:s19+$0xBCF0];
	v4 =	vsub.f32 v10, v21;
	v2 =	vadd.f32 v3, v2;
	v3 =	vmul.f32 v24, v24  }
0x8c: {  	v28 =	vld [tilespmem:s19+$0xCF00]  }
0x8d: {  	v30 =	vld [tilespmem:s19+$0xBD00];
	v29 =	vsub.f32 v22, v23;
	v2 =	vadd.f32 v3, v2;
	v3 =	vmul.f32 v4, v4  }
0x8e: {  	v31 =	vld [tilespmem:s19+$0xCF10]  }
0x8f: {  	v33 =	vld [tilespmem:s19+$0xBD10];
	v32 =	vsub.f32 v11, v25;
	v2 =	vadd.f32 v3, v2;
	v3 =	vmul.f32 v29, v29  }
0x90: {  	v34 =	vld [tilespmem:s19+$0xCF20]  }
0x91: {  	v36 =	vld [tilespmem:s19+$0xBD20];
	v35 =	vsub.f32 v26, v27;
	v2 =	vadd.f32 v3, v2;
	v3 =	vmul.f32 v32, v32  }
0x92: {  	v37 =	vld [tilespmem:s19+$0xCF30]  }
0x93: {  	v39 =	vld [tilespmem:s19+$0xBD30];
	v38 =	vsub.f32 v28, v30;
	v2 =	vadd.f32 v3, v2;
	v3 =	vmul.f32 v35, v35  }
0x94: {  	v40 =	vld [tilespmem:s19+$0xCF40]  }
0x95: {  	v42 =	vld [tilespmem:s19+$0xBD40];
	v41 =	vsub.f32 v31, v33;
	v2 =	vadd.f32 v3, v2;
	v3 =	vmul.f32 v38, v38  }
0x96: {  	v43 =	vld [tilespmem:s19+$0xCF50]  }
0x97: {  	v45 =	vld [tilespmem:s19+$0xBD50];
	v44 =	vsub.f32 v34, v36;
	v2 =	vadd.f32 v3, v2;
	v3 =	vmul.f32 v41, v41  }
0x98: {  	v46 =	vld [tilespmem:s19+$0xCF60]  }
0x99: {  	v48 =	vld [tilespmem:s19+$0xBD60];
	v47 =	vsub.f32 v37, v39;
	v2 =	vadd.f32 v3, v2;
	v3 =	vmul.f32 v44, v44  }
0x9a: {  	v49 =	vld [tilespmem:s19+$0xCF70]  }
0x9b: {  	v51 =	vld [tilespmem:s19+$0xBD70];
	v50 =	vsub.f32 v40, v42;
	v2 =	vadd.f32 v3, v2;
	v3 =	vmul.f32 v47, v47  }
0x9c: {  	v52 =	vld [tilespmem:s19+$0xCF80]  }
0x9d: {  	v54 =	vld [tilespmem:s19+$0xBD80];
	v53 =	vsub.f32 v43, v45;
	v2 =	vadd.f32 v3, v2;
	v3 =	vmul.f32 v50, v50  }
0x9e: {  	v55 =	vld [tilespmem:s19+$0xCF90]  }
0x9f: {  	v57 =	vld [tilespmem:s19+$0xBD90];
	v56 =	vsub.f32 v46, v48;
	v2 =	vadd.f32 v3, v2;
	v3 =	vmul.f32 v53, v53  }
0xa0: {  	v58 =	vld [tilespmem:s19+$0xCFA0]  }
0xa1: {  	v60 =	vld [tilespmem:s19+$0xBDA0];
	v59 =	vsub.f32 v49, v51;
	v2 =	vadd.f32 v3, v2;
	v3 =	vmul.f32 v56, v56;
	_ =	sdelay $0x1  }
0xa2: {  	v4 =	vmul.f32 v59, v59;
	v2 =	vadd.f32 v3, v2;
	v3 =	vsub.f32 v52, v54;
	_ =	sdelay $0x1  }
0xa3: {  	v61 =	vsub.f32 v55, v57;
	v2 =	vadd.f32 v4, v2;
	v3 =	vmul.f32 v3, v3  }
0xa4: {  	v62 =	vsub.f32 v58, v60  }
0xa5: {  	v2 =	vadd.f32 v3, v2;
	v3 =	vmul.f32 v61, v61  }
0xa6: {  	v63 =	vmul.f32 v62, v62  }
0xa7: {  	v2 =	vadd.f32 v3, v2  }
0xa8: {  	v3 =	vnsel vm1, $0x0, v63  }
0xa9: {  	v2 =	vadd.f32 v3, v2;
	_ =	sdelay $0x1  }
0xaa: {  	(xrf2) =	vadd.scan.msk.f32 $0xffff, v2;
	_ =	sdelay $0x9  }
0xab: {  	v2, _, _ =	vpop (xrf2)  }
0xac: {  	v2 =	vbroadcast v2, $0xF;
	_ =	sdelay $0x1  }
0xad: {  	v2 =	vnsel vm0, $0x0, v2  }
0xae: {  	[tilespmem:$0xE200] =	vst v2  }
.LBB2_3:
.Ltmp4:
0xaf: {  	s5 =	rddreg [dreg:$0xf];
	(pc) =	sbr.rel @p1 .LBB2_16-.Ltmp4, $4  }
0xb0: {  	[spmem:s5] =	stream.linear.scatter [tilespmem:s3], [sflag:$0x3], $0x10, $0x38;
	[tilespmem:$0xE6E0] =	vst v63  }
0xb1: {  	s9 =	sshll.u32 s9, $0xD;
	s10 =	sshll.u32 s10, $0xD;
	_ =	swait.ge [sflag:s2], $0x10  }
0xb2: {  	s11 =	sshll.u32 s16, $0x4;
	s15 =	sshrl.u32 s9, $0x3;
	[sflag:s2] =	ssyncset.done $0x0  }
0xb3: {  	s17 =	sshrl.u32 s10, $0x3;
	s13 =	sand.u32 $0xFFFFFFC0, s11;
	[sflag:s2] =	ssyncadd.s32 $0xFFFFFFF0  }
0xb4: {  	s18 =	sadd.s32 s7, s15;
	s15 =	simm.s32 $0x0  }
0xb5: {  	[tilespmem:s15], [sflag:$0x1] =	stream.linear.gather [hbm4b:s18+s15], $0x2000, $0x38;
	[tilespmem:$0xE6E0] =	vst v63  }
.Ltmp5:
0xb6: {  	s16 =	sshll.u32 s16, $0x6;
	(pc) =	sbr.rel .LBB2_5-.Ltmp5, $4  }
0xb7: {  	s16 =	sshra.s32 s16, $0x2  }
0xb8: {  	s17 =	sadd.s32 s7, s17;
	s5 =	simm.s32 $0x2000;
	s16 =	sand.u32 $0xFFFFFFC0, s16  }
0xb9: {  	[tilespmem:s5], [sflag:$0x1] =	stream.linear.gather [hbm4b:s17+s15], $0x2000, $0x38;
	[tilespmem:$0xE6E0] =	vst v63  }
0xba: {  	v2 =	vimm.f32 $0.0e+00;
	p4 =	slt.s32 s11, $0x40;
	p5 =	seq.s32 s13, s11;
	s16 =	sadd.s32 $0x8000, s16  }
.LBB2_15:
0xbb: {  	(xrf2) =	vadd.scan.msk.f32 $0xffff, v5;
	_ =	sdelay $0x8  }
0xbc: {  	v4 =	vmov s15;
	s15 =	sadd.s32 $0x1, s15  }
0xbd: {  	p0 =	seq.s32 s15, $0xC;
	v3, _, _ =	vpop (xrf2)  }
.Ltmp6:
0xbe: {  	v3 =	vbroadcast v3, $0xF;
	(pc) =	sbr.rel @p0 .LBB2_28-.Ltmp6, $3  }
0xbf: {  	vm2 =	veq.s32 v4, v0  }
0xc0: {  	v3 =	vnsel vm2, $0x0, v3  }
0xc1: {  	v2 =	vadd.f32 v3, v2;
	_ =	sdelay $0x1  }
.LBB2_5:
0xc2: {  	_ =	swait.ge [sflag:s22], $0x2000;
	p0 =	seq.s32 s15, $0xB  }
0xc3: {  	[sflag:s22] =	ssyncset.done $0x0;
	s17 =	sshll.u32 @!p0 s15, $0x12  }
0xc4: {  	s18 =	sand.u32 $0x1, s15;
	[sflag:s22] =	ssyncadd.s32 $0xFFFFE000;
	s17 =	sadd.s32 @!p0 $0x40000, s17  }
0xc5: {  	s20 =	sshll.u32 @!p0 s18, $0xE;
	_ =	swait.ge [sflag:s22], $0x2000;
	s5 =	sadd.s32 @!p0 s9, s17  }
0xc6: {  	s21 =	simm.s32 @!p0 $0x0;
	[sflag:s22] =	ssyncset.done $0x0;
	s5 =	sshrl.u32 @!p0 s5, $0x3  }
0xc7: {  	s20 =	sxor.u32 @!p0 $0x4000, s20;
	[sflag:s22] =	ssyncadd.s32 $0xFFFFE000;
	s5 =	sadd.s32 @!p0 s7, s5  }
0xc8: {  	[tilespmem:s20], [sflag:$0x1] =	stream.linear.gather @!p0 [hbm4b:s5+s21], $0x2000, $0x38;
	[tilespmem:$0xE6E0] =	vst v63  }
0xc9: {  	s5 =	sadd.s32 @!p0 s10, s17  }
.Ltmp7:
0xca: {  	s5 =	sshrl.u32 @!p0 s5, $0x3;
	(pc) =	sbr.rel @p4 .LBB2_13-.Ltmp7, $4  }
0xcb: {  	s17 =	sor.u32 @!p0 $0x2000, s20;
	s20 =	smul.u32 $0x180, s15;
	s5 =	sadd.s32 @!p0 s7, s5  }
0xcc: {  	[tilespmem:s17], [sflag:$0x1] =	stream.linear.gather @!p0 [hbm4b:s5+s21], $0x2000, $0x38;
	[tilespmem:$0xE6E0] =	vst v63  }
0xcd: {  	s21 =	sshll.u32 s18, $0xE  }
0xce: {  	v5 =	vimm.f32 $0.0e+00;
	v4 =	vmov s20;
	v3 =	vmov s21  }
0xcf: {  	s17 =	simm.s32 $0x8020  }
0xd0: {  	v19 =	vld [tilespmem:s17+$0x10]  }
0xd1: {  	v20 =	vld [tilespmem:s17+$0x0]  }
0xd2: {  	v21 =	vld [tilespmem:s17+$0xFFFFFFF0]  }
0xd3: {  	v22 =	vld [tilespmem:s17+$0xFFFFFFE0];
	_ =	sdelay $0x2  }
0xd4: {  	v5 =	vimm.f32 $0.0e+00;
	p0 =	sgt.s32 s13, $0x40;
	v9 =	vshrl.u32 v19, $0x9;
	v8 =	vshrl.u32 v20, $0x9  }
.Ltmp8:
0xd5: {  	v6 =	vand.u32 $0x7F, v20;
	v7 =	vand.u32 $0x180, v19;
	v10 =	vshrl.u32 v21, $0x9;
	(pc) =	sbr.rel @!p0 .LBB2_7-.Ltmp8, $4  }
0xd6: {  	v14 =	vand.u32 $0x7F, v21;
	v13 =	vand.u32 $0x180, v20;
	v11 =	vshrl.u32 v22, $0x9  }
0xd7: {  	v16 =	vand.u32 $0x7F, v22;
	v17 =	vand.u32 $0x180, v21;
	v12 =	vand.u32 $0x180, v22  }
0xd8: {  	v9 =	vand.u32 $0x3FFF, v9;
	v28 =	vadd.s32 v4, v12;
	v11 =	vand.u32 $0x3FFF, v11  }
0xd9: {  	p6 =	por $0x0, $0x0;
	s17 =	simm.s32 $0x8060;
	v27 =	vand.u32 $0x3FFF, v10;
	v23 =	vor.u32 v3, v11;
	v25 =	vor.u32 v3, v9  }
0xda: {  	v9 =	vld [tilespmem:s17+$0x10]  }
0xdb: {  	v15 =	vor.u32 v16, v28;
	v11 =	vld [tilespmem:s17+$0x0]  }
0xdc: {  	v16 =	vadd.s32 v4, v17;
	v17 =	vor.u32 v3, v27;
	v10 =	vld [tilespmem:s17+$0xFFFFFFF0]  }
0xdd: {  	v12 =	vld [tilespmem:s17+$0xFFFFFFE0];
	v8 =	vand.u32 $0x3FFF, v8;
	v14 =	vor.u32 v14, v16  }
0xde: {  	v13 =	vadd.s32 v4, v13;
	v18 =	vld.idx.msk [tilespmem:v23+s6+$0x0], $0xffff;
	v16 =	vor.u32 v3, v8  }
0xdf: {  	v29 =	vld.idx.msk [tilespmem:v25+s6+$0x0], $0xffff;
	v23 =	vor.u32 v6, v13  }
0xe0: {  	v7 =	vadd.s32 v4, v7;
	v20 =	vshra.s32 v20, $0x19;
	v8 =	vand.u32 $0x7F, v19;
	v15 =	vld.idx.msk [tilespmem:v15+s31+$0x0], $0xffff  }
0xe1: {  	v22 =	vshra.s32 v22, $0x19;
	v21 =	vshra.s32 v21, $0x19;
	v24 =	vor.u32 v8, v7;
	v27 =	vld.idx.msk [tilespmem:v17+s6+$0x0], $0xffff  }
0xe2: {  	v19 =	vshra.s32 v19, $0x19;
	v26 =	vcvt.s32.f32 v21;
	v25 =	vshrl.u32 v9, $0x9;
	v28 =	vld.idx.msk [tilespmem:v14+s31+$0x0], $0xffff  }
0xe3: {  	v8 =	vshrl.u32 v11, $0x9;
	v6 =	vand.u32 $0x7F, v11;
	v7 =	vand.u32 $0x180, v9;
	v31 =	vld.idx.msk [tilespmem:v16+s6+$0x0], $0xffff  }
0xe4: {  	v30 =	vshrl.u32 v10, $0x9;
	v13 =	vand.u32 $0x180, v11;
	v32 =	vshrl.u32 v12, $0x9;
	v23 =	vld.idx.msk [tilespmem:v23+s31+$0x0], $0xffff  }
0xe5: {  	v17 =	vand.u32 $0x180, v10;
	v14 =	vand.u32 $0x7F, v10;
	v16 =	vand.u32 $0x7F, v12  }
0xe6: {  	p0 =	sgt.s32 s13, $0x80;
	v33 =	vsub.f32 v15, v18;
	v18 =	vcvt.s32.f32 v20;
	v20 =	vld.idx.msk [tilespmem:v24+s31+$0x0], $0xffff;
	v15 =	vcvt.s32.f32 v19  }
.Ltmp9:
0xe7: {  	v19 =	vcvt.s32.f32 v22;
	v22 =	vand.u32 $0x180, v12;
	v24 =	vand.u32 $0x3FFF, v25;
	(pc) =	sbr.rel @!p0 .LBB2_9-.Ltmp9, $4  }
0xe8: {  	v25 =	vsub.f32 v28, v27;
	v28 =	vadd.s32 v4, v22;
	v21 =	vmul.f32 v33, v33  }
0xe9: {  	v22 =	vand.u32 $0x3FFF, v32;
	v27 =	vand.u32 $0x3FFF, v30;
	v31 =	vsub.f32 v23, v31  }
0xea: {  	v23 =	vor.u32 v3, v22;
	v30 =	vmul.f32 v25, v25;
	v32 =	vmul.f32 v19, v21  }
0xeb: {  	s17 =	simm.s32 $0x80;
	s18 =	simm.s32 $0x80A0;
	p6 =	por $0x1, $0x1;
	v25 =	vor.u32 v3, v24;
	v24 =	vimm.f32 $0.0e+00;
	v29 =	vsub.f32 v20, v29  }
.LBB2_10:
0xec: {  	v19 =	vld [tilespmem:s18+$0x10];
	v20 =	vadd.f32 v32, v24;
	v21 =	vmul.f32 v26, v30;
	v22 =	vmul.f32 v31, v31  }
0xed: {  	v16 =	vor.u32 v16, v28;
	v17 =	vadd.s32 v4, v17;
	v27 =	vor.u32 v3, v27;
	v26 =	vld [tilespmem:s18+$0x0]  }
0xee: {  	v28 =	vld [tilespmem:s18+$0xFFFFFFF0];
	v20 =	vadd.f32 v21, v20;
	v18 =	vmul.f32 v18, v22;
	v21 =	vmul.f32 v29, v29  }
0xef: {  	v13 =	vadd.s32 v4, v13;
	v8 =	vand.u32 $0x3FFF, v8;
	v14 =	vor.u32 v14, v17;
	v22 =	vld [tilespmem:s18+$0xFFFFFFE0]  }
0xf0: {  	v17 =	vor.u32 v3, v8;
	v29 =	vld.idx.msk [tilespmem:v25+s6+$0x0], $0xffff;
	v8 =	vadd.f32 v18, v20;
	v15 =	vmul.f32 v15, v21  }
0xf1: {  	v20 =	vor.u32 v6, v13;
	v6 =	vadd.s32 v4, v7;
	v7 =	vand.u32 $0x7F, v9;
	v18 =	vld.idx.msk [tilespmem:v23+s6+$0x0], $0xffff  }
0xf2: {  	v23 =	vor.u32 v7, v6;
	v21 =	vld.idx.msk [tilespmem:v16+s31+$0x0], $0xffff;
	v24 =	vadd.f32 v15, v8  }
0xf3: {  	v15 =	vshra.s32 v11, $0x19;
	v11 =	vmovc v26;
	v25 =	vld.idx.msk [tilespmem:v27+s6+$0x0], $0xffff;
	v27 =	vshra.s32 v9, $0x19;
	v9 =	vmov v19  }
0xf4: {  	v30 =	vshra.s32 v10, $0x19;
	v26 =	vshra.s32 v12, $0x19;
	v10 =	vmovc v28;
	v19 =	vshrl.u32 v9, $0x9;
	v31 =	vld.idx.msk [tilespmem:v14+s31+$0x0], $0xffff;
	v12 =	vmovc v22  }
0xf5: {  	v8 =	vshrl.u32 v11, $0x9;
	v6 =	vand.u32 $0x7F, v11;
	v7 =	vand.u32 $0x180, v9;
	v22 =	vld.idx.msk [tilespmem:v17+s6+$0x0], $0xffff  }
0xf6: {  	v13 =	vand.u32 $0x180, v11;
	v32 =	vshrl.u32 v10, $0x9;
	v14 =	vand.u32 $0x7F, v10;
	v20 =	vld.idx.msk [tilespmem:v20+s31+$0x0], $0xffff  }
0xf7: {  	s17 =	sadd.s32 $0x40, s17;
	v33 =	vshrl.u32 v12, $0x9;
	v16 =	vand.u32 $0x7F, v12;
	v17 =	vand.u32 $0x180, v10;
	v34 =	vld.idx.msk [tilespmem:v23+s31+$0x0], $0xffff  }
0xf8: {  	p0 =	slt.s32 s17, s13;
	v21 =	vsub.f32 v21, v18;
	v18 =	vcvt.s32.f32 v15;
	v15 =	vcvt.s32.f32 v27  }
.Ltmp10:
0xf9: {  	v35 =	vcvt.s32.f32 v26;
	v26 =	vcvt.s32.f32 v30;
	v23 =	vand.u32 $0x180, v12;
	(pc) =	sbr.rel @p0 .LBB2_10-.Ltmp10, $4  }
0xfa: {  	v19 =	vand.u32 $0x3FFF, v19;
	v21 =	vmul.f32 v21, v21;
	v25 =	vsub.f32 v31, v25  }
0xfb: {  	v27 =	vand.u32 $0x3FFF, v32;
	v28 =	vadd.s32 v4, v23;
	v23 =	vand.u32 $0x3FFF, v33  }
0xfc: {  	v32 =	vmul.f32 v35, v21;
	v30 =	vmul.f32 v25, v25;
	v31 =	vsub.f32 v20, v22  }
0xfd: {  	s18 =	sadd.s32 $0x40, s18;
	v23 =	vor.u32 v3, v23;
	v25 =	vor.u32 v3, v19;
	v29 =	vsub.f32 v34, v29  }
0xfe: {  	v19 =	vmovc v9;
	v20 =	vmov v11;
	v22 =	vmov v12;
	v21 =	vmov v10  }
.LBB2_12:
0xff: {  	_ = 	snop  }
0x100: {  	v9 =	vor.u32 v16, v28  }
0x101: {  	v10 =	vadd.s32 v4, v17;
	v11 =	vor.u32 v3, v27  }
0x102: {  	v8 =	vand.u32 $0x3FFF, v8;
	v10 =	vor.u32 v14, v10  }
0x103: {  	v12 =	vadd.f32 @p6 v32, v24;
	v13 =	vadd.s32 v4, v13;
	v54 =	vld.idx.msk [tilespmem:v25+s6+$0x0], $0xffff;
	v8 =	vor.u32 v3, v8  }
0x104: {  	v55 =	vld.idx.msk [tilespmem:v23+s6+$0x0], $0xffff;
	v7 =	vadd.s32 v4, v7;
	v56 =	vand.u32 $0x7F, v19;
	v6 =	vor.u32 v6, v13  }
0x105: {  	v17 =	vmul.f32 @p6 v26, v30;
	v23 =	vmul.f32 @p6 v31, v31;
	v7 =	vor.u32 v56, v7;
	v9 =	vld.idx.msk [tilespmem:v9+s31+$0x0], $0xffff  }
0x106: {  	v11 =	vld.idx.msk [tilespmem:v11+s6+$0x0], $0xffff  }
0x107: {  	v12 =	vadd.f32 @p6 v17, v12;
	v13 =	vmul.f32 @p6 v18, v23;
	v17 =	vmul.f32 @p6 v29, v29;
	v10 =	vld.idx.msk [tilespmem:v10+s31+$0x0], $0xffff  }
0x108: {  	v8 =	vld.idx.msk [tilespmem:v8+s6+$0x0], $0xffff  }
0x109: {  	v12 =	vadd.f32 @p6 v13, v12;
	v13 =	vmul.f32 @p6 v15, v17;
	v6 =	vld.idx.msk [tilespmem:v6+s31+$0x0], $0xffff  }
0x10a: {  	v7 =	vld.idx.msk [tilespmem:v7+s31+$0x0], $0xffff;
	v9 =	vsub.f32 v9, v55  }
0x10b: {  	v57 =	vshra.s32 v22, $0x19;
	v58 =	vshra.s32 v21, $0x19;
	v12 =	vadd.f32 @p6 v13, v12  }
0x10c: {  	v13 =	vcvt.s32.f32 v57;
	v10 =	vsub.f32 v10, v11;
	v9 =	vmul.f32 v9, v9  }
0x10d: {  	v59 =	vshra.s32 v20, $0x19;
	v60 =	vshra.s32 v19, $0x19;
	v15 =	vcvt.s32.f32 v58  }
0x10e: {  	v6 =	vsub.f32 v6, v8;
	v10 =	vmul.f32 v10, v10;
	v9 =	vmul.f32 v13, v9  }
0x10f: {  	v61 =	vcvt.s32.f32 v59;
	v5 =	vpsel p6, v12, v5;
	v7 =	vsub.f32 v7, v54  }
0x110: {  	v6 =	vmul.f32 v6, v6;
	v62 =	vmul.f32 v15, v10;
	v5 =	vadd.f32 v9, v5  }
0x111: {  	v63 =	vcvt.s32.f32 v60  }
0x112: {  	v7 =	vmul.f32 v7, v7;
	v6 =	vmul.f32 v61, v6;
	v5 =	vadd.f32 v62, v5;
	_ =	sdelay $0x1  }
0x113: {  	v5 =	vadd.f32 v6, v5;
	v6 =	vmul.f32 v63, v7;
	_ =	sdelay $0x1  }
0x114: {  	v5 =	vadd.f32 v6, v5  }
.LBB2_13:
.Ltmp11:
0x115: {  	(pc) =	sbr.rel @p5 .LBB2_15-.Ltmp11, $2  }
0x116: {  	_ =	sdelay $0x2  }
0x117: {  	s17 =	smov.u32 s16;
	s18 =	smov.u32 s13  }
.LBB2_14:
0x118: {  	v6 =	vld [tilespmem:s17+$0x0];
	_ =	sdelay $0x4  }
0x119: {  	v7 =	vshrl.u32 v6, $0x9  }
0x11a: {  	v8 =	vand.u32 $0x180, v6;
	v7 =	vand.u32 $0x3FFF, v7  }
0x11b: {  	v9 =	vand.u32 $0x7F, v6;
	v8 =	vadd.s32 v4, v8;
	v7 =	vor.u32 v3, v7  }
0x11c: {  	v8 =	vor.u32 v9, v8;
	_ =	sdelay $0x3  }
0x11d: {  	v7 =	vld.idx.msk [tilespmem:v7+s6+$0x0], $0xffff  }
0x11e: {  	v8 =	vld.idx.msk [tilespmem:v8+s31+$0x0], $0xffff;
	_ =	sdelay $0x4  }
0x11f: {  	s18 =	sadd.s32 $0x10, s18;
	v7 =	vsub.f32 v8, v7  }
0x120: {  	p0 =	slt.s32 s18, s11;
	v6 =	vshra.s32 v6, $0x19  }
.Ltmp12:
0x121: {  	v6 =	vcvt.s32.f32 v6;
	v7 =	vmul.f32 v7, v7;
	(pc) =	sbr.rel @p0 .LBB2_14-.Ltmp12, $3  }
0x122: {  	_ = 	snop  }
0x123: {  	v6 =	vmul.f32 v6, v7;
	_ =	sdelay $0x1  }
0x124: {  	s17 =	sadd.s32 $0x10, s17;
	v5 =	vadd.f32 v6, v5  }
.Ltmp13:
0x125: {  	_ = 	snop;
	(pc) =	sbr.rel .LBB2_15-.Ltmp13, $1  }
0x126: {  	_ =	sdelay $0x3  }
.LBB2_7:
.Ltmp14:
0x127: {  	(pc) =	sbr.rel .LBB2_12-.Ltmp14, $2  }
0x128: {  	_ =	sdelay $0x2  }
0x129: {  	v24 =	vimm.f32 $0.0e+00  }
.LBB2_9:
.Ltmp15:
0x12a: {  	(pc) =	sbr.rel .LBB2_12-.Ltmp15, $2  }
0x12b: {  	_ =	sdelay $0x2  }
0x12c: {  	v24 =	vimm.f32 $0.0e+00;
	v19 =	vmovc v9;
	v20 =	vmovc v11;
	v22 =	vmov v12;
	v21 =	vmov v10  }
.LBB2_16:
0x12d: {  	s5 =	sadd.s32 s8, s15;
	s15 =	simm.s32 $0x0  }
0x12e: {  	[tilespmem:s15], [sflag:$0x1] =	stream.linear.gather [hbm4b:s5+s15], $0x2000, $0x38;
	[tilespmem:$0xE6E0] =	vst v63  }
.Ltmp16:
0x12f: {  	s21 =	sshll.u32 s16, $0x6;
	(pc) =	sbr.rel .LBB2_17-.Ltmp16, $4  }
0x130: {  	s5 =	sshra.s32 s21, $0x2  }
0x131: {  	s18 =	sadd.s32 s8, s17;
	s20 =	simm.s32 $0x2000;
	s5 =	sand.u32 $0xFFFFFFC0, s5  }
0x132: {  	[tilespmem:s20], [sflag:$0x1] =	stream.linear.gather [hbm4b:s18+s15], $0x2000, $0x38;
	[tilespmem:$0xE6E0] =	vst v63  }
0x133: {  	v2 =	vimm.f32 $0.0e+00;
	p4 =	slt.s32 s11, $0x40;
	p5 =	seq.s32 s13, s11;
	s16 =	sadd.s32 $0x8000, s5  }
.LBB2_27:
0x134: {  	(xrf2) =	vadd.scan.msk.f32 $0xffff, v5;
	_ =	sdelay $0x8  }
0x135: {  	v4 =	vmov s15;
	s15 =	sadd.s32 $0x1, s15  }
0x136: {  	p0 =	sne.s32 s15, $0xC;
	v3, _, _ =	vpop (xrf2)  }
.Ltmp17:
0x137: {  	v3 =	vbroadcast v3, $0xF;
	(pc) =	sbr.rel @!p0 .LBB2_28-.Ltmp17, $3  }
0x138: {  	vm2 =	veq.s32 v4, v0  }
0x139: {  	v3 =	vnsel vm2, $0x0, v3  }
0x13a: {  	v2 =	vadd.f32 v3, v2;
	_ =	sdelay $0x1  }
.LBB2_17:
0x13b: {  	_ =	swait.ge [sflag:s22], $0x2000;
	p6 =	seq.s32 s15, $0xB  }
0x13c: {  	s17 =	sand.u32 $0x1, s15;
	[sflag:s22] =	ssyncset.done $0x0;
	s5 =	sshll.u32 @!p6 s15, $0x12  }
0x13d: {  	s20 =	sshll.u32 @!p6 s17, $0xE;
	[sflag:s22] =	ssyncadd.s32 $0xFFFFE000;
	s5 =	sadd.s32 @!p6 $0x40000, s5  }
0x13e: {  	s21 =	simm.s32 @!p6 $0x0;
	_ =	swait.ge [sflag:s22], $0x2000;
	s18 =	sadd.s32 @!p6 s9, s5  }
0x13f: {  	s20 =	sxor.u32 @!p6 $0x4000, s20;
	[sflag:s22] =	ssyncset.done $0x0;
	s18 =	sshrl.u32 @!p6 s18, $0x3  }
0x140: {  	s5 =	sadd.s32 @!p6 s10, s5;
	[sflag:s22] =	ssyncadd.s32 $0xFFFFE000;
	s18 =	sadd.s32 @!p6 s8, s18  }
0x141: {  	[tilespmem:s20], [sflag:$0x1] =	stream.linear.gather @!p6 [hbm4b:s18+s21], $0x2000, $0x38;
	[tilespmem:$0xE6E0] =	vst v63  }
.Ltmp18:
0x142: {  	s5 =	sshrl.u32 @!p6 s5, $0x3;
	(pc) =	sbr.rel @p4 .LBB2_25-.Ltmp18, $4  }
0x143: {  	s5 =	sadd.s32 @!p6 s8, s5;
	s18 =	sor.u32 @!p6 $0x2000, s20;
	s20 =	smul.u32 $0x180, s15  }
0x144: {  	[tilespmem:s18], [sflag:$0x1] =	stream.linear.gather @!p6 [hbm4b:s5+s21], $0x2000, $0x38;
	[tilespmem:$0xE6E0] =	vst v63  }
0x145: {  	s18 =	sshll.u32 s17, $0xE;
	s21 =	sadd.s32 $0x1200, s20  }
0x146: {  	v5 =	vimm.f32 $0.0e+00;
	v3 =	vmov s18;
	v4 =	vmov s21  }
0x147: {  	s17 =	simm.s32 $0x8020  }
0x148: {  	v19 =	vld [tilespmem:s17+$0x10]  }
0x149: {  	v20 =	vld [tilespmem:s17+$0x0]  }
0x14a: {  	v21 =	vld [tilespmem:s17+$0xFFFFFFF0]  }
0x14b: {  	v22 =	vld [tilespmem:s17+$0xFFFFFFE0];
	_ =	sdelay $0x2  }
0x14c: {  	v5 =	vimm.f32 $0.0e+00;
	p0 =	sgt.s32 s13, $0x40;
	v9 =	vshrl.u32 v19, $0x9;
	v8 =	vshrl.u32 v20, $0x9  }
.Ltmp19:
0x14d: {  	v6 =	vand.u32 $0x7F, v20;
	v7 =	vand.u32 $0x180, v19;
	v10 =	vshrl.u32 v21, $0x9;
	(pc) =	sbr.rel @!p0 .LBB2_19-.Ltmp19, $4  }
0x14e: {  	v14 =	vand.u32 $0x7F, v21;
	v13 =	vand.u32 $0x180, v20;
	v11 =	vshrl.u32 v22, $0x9  }
0x14f: {  	v16 =	vand.u32 $0x7F, v22;
	v17 =	vand.u32 $0x180, v21;
	v12 =	vand.u32 $0x180, v22  }
0x150: {  	v9 =	vand.u32 $0x3FFF, v9;
	v28 =	vadd.s32 v4, v12;
	v11 =	vand.u32 $0x3FFF, v11  }
0x151: {  	p6 =	por $0x0, $0x0;
	s17 =	simm.s32 $0x8060;
	v27 =	vand.u32 $0x3FFF, v10;
	v23 =	vor.u32 v3, v11;
	v25 =	vor.u32 v3, v9  }
0x152: {  	v9 =	vld [tilespmem:s17+$0x10]  }
0x153: {  	v15 =	vor.u32 v16, v28;
	v11 =	vld [tilespmem:s17+$0x0]  }
0x154: {  	v16 =	vadd.s32 v4, v17;
	v17 =	vor.u32 v3, v27;
	v10 =	vld [tilespmem:s17+$0xFFFFFFF0]  }
0x155: {  	v12 =	vld [tilespmem:s17+$0xFFFFFFE0];
	v8 =	vand.u32 $0x3FFF, v8;
	v14 =	vor.u32 v14, v16  }
0x156: {  	v13 =	vadd.s32 v4, v13;
	v18 =	vld.idx.msk [tilespmem:v23+s6+$0x0], $0xffff;
	v16 =	vor.u32 v3, v8  }
0x157: {  	v29 =	vld.idx.msk [tilespmem:v25+s6+$0x0], $0xffff;
	v23 =	vor.u32 v6, v13  }
0x158: {  	v7 =	vadd.s32 v4, v7;
	v20 =	vshra.s32 v20, $0x19;
	v8 =	vand.u32 $0x7F, v19;
	v15 =	vld.idx.msk [tilespmem:v15+s31+$0x0], $0xffff  }
0x159: {  	v22 =	vshra.s32 v22, $0x19;
	v21 =	vshra.s32 v21, $0x19;
	v24 =	vor.u32 v8, v7;
	v27 =	vld.idx.msk [tilespmem:v17+s6+$0x0], $0xffff  }
0x15a: {  	v19 =	vshra.s32 v19, $0x19;
	v26 =	vcvt.s32.f32 v21;
	v25 =	vshrl.u32 v9, $0x9;
	v28 =	vld.idx.msk [tilespmem:v14+s31+$0x0], $0xffff  }
0x15b: {  	v8 =	vshrl.u32 v11, $0x9;
	v6 =	vand.u32 $0x7F, v11;
	v7 =	vand.u32 $0x180, v9;
	v31 =	vld.idx.msk [tilespmem:v16+s6+$0x0], $0xffff  }
0x15c: {  	v30 =	vshrl.u32 v10, $0x9;
	v13 =	vand.u32 $0x180, v11;
	v32 =	vshrl.u32 v12, $0x9;
	v23 =	vld.idx.msk [tilespmem:v23+s31+$0x0], $0xffff  }
0x15d: {  	v17 =	vand.u32 $0x180, v10;
	v14 =	vand.u32 $0x7F, v10;
	v16 =	vand.u32 $0x7F, v12  }
0x15e: {  	p0 =	sgt.s32 s13, $0x80;
	v33 =	vsub.f32 v15, v18;
	v18 =	vcvt.s32.f32 v20;
	v20 =	vld.idx.msk [tilespmem:v24+s31+$0x0], $0xffff;
	v15 =	vcvt.s32.f32 v19  }
.Ltmp20:
0x15f: {  	v19 =	vcvt.s32.f32 v22;
	v22 =	vand.u32 $0x180, v12;
	v24 =	vand.u32 $0x3FFF, v25;
	(pc) =	sbr.rel @!p0 .LBB2_21-.Ltmp20, $4  }
0x160: {  	v25 =	vsub.f32 v28, v27;
	v28 =	vadd.s32 v4, v22;
	v21 =	vmul.f32 v33, v33  }
0x161: {  	v22 =	vand.u32 $0x3FFF, v32;
	v27 =	vand.u32 $0x3FFF, v30;
	v31 =	vsub.f32 v23, v31  }
0x162: {  	v23 =	vor.u32 v3, v22;
	v30 =	vmul.f32 v25, v25;
	v32 =	vmul.f32 v19, v21  }
0x163: {  	s17 =	simm.s32 $0x80;
	s18 =	simm.s32 $0x80A0;
	p6 =	por $0x1, $0x1;
	v25 =	vor.u32 v3, v24;
	v24 =	vimm.f32 $0.0e+00;
	v29 =	vsub.f32 v20, v29  }
.LBB2_22:
0x164: {  	v19 =	vld [tilespmem:s18+$0x10];
	v20 =	vadd.f32 v32, v24;
	v21 =	vmul.f32 v26, v30;
	v22 =	vmul.f32 v31, v31  }
0x165: {  	v16 =	vor.u32 v16, v28;
	v17 =	vadd.s32 v4, v17;
	v27 =	vor.u32 v3, v27;
	v26 =	vld [tilespmem:s18+$0x0]  }
0x166: {  	v28 =	vld [tilespmem:s18+$0xFFFFFFF0];
	v20 =	vadd.f32 v21, v20;
	v18 =	vmul.f32 v18, v22;
	v21 =	vmul.f32 v29, v29  }
0x167: {  	v13 =	vadd.s32 v4, v13;
	v8 =	vand.u32 $0x3FFF, v8;
	v14 =	vor.u32 v14, v17;
	v22 =	vld [tilespmem:s18+$0xFFFFFFE0]  }
0x168: {  	v17 =	vor.u32 v3, v8;
	v29 =	vld.idx.msk [tilespmem:v25+s6+$0x0], $0xffff;
	v8 =	vadd.f32 v18, v20;
	v15 =	vmul.f32 v15, v21  }
0x169: {  	v20 =	vor.u32 v6, v13;
	v6 =	vadd.s32 v4, v7;
	v7 =	vand.u32 $0x7F, v9;
	v18 =	vld.idx.msk [tilespmem:v23+s6+$0x0], $0xffff  }
0x16a: {  	v23 =	vor.u32 v7, v6;
	v21 =	vld.idx.msk [tilespmem:v16+s31+$0x0], $0xffff;
	v24 =	vadd.f32 v15, v8  }
0x16b: {  	v15 =	vshra.s32 v11, $0x19;
	v11 =	vmovc v26;
	v25 =	vld.idx.msk [tilespmem:v27+s6+$0x0], $0xffff;
	v27 =	vshra.s32 v9, $0x19;
	v9 =	vmov v19  }
0x16c: {  	v30 =	vshra.s32 v10, $0x19;
	v26 =	vshra.s32 v12, $0x19;
	v10 =	vmovc v28;
	v19 =	vshrl.u32 v9, $0x9;
	v31 =	vld.idx.msk [tilespmem:v14+s31+$0x0], $0xffff;
	v12 =	vmovc v22  }
0x16d: {  	v8 =	vshrl.u32 v11, $0x9;
	v6 =	vand.u32 $0x7F, v11;
	v7 =	vand.u32 $0x180, v9;
	v22 =	vld.idx.msk [tilespmem:v17+s6+$0x0], $0xffff  }
0x16e: {  	v13 =	vand.u32 $0x180, v11;
	v32 =	vshrl.u32 v10, $0x9;
	v14 =	vand.u32 $0x7F, v10;
	v20 =	vld.idx.msk [tilespmem:v20+s31+$0x0], $0xffff  }
0x16f: {  	s17 =	sadd.s32 $0x40, s17;
	v33 =	vshrl.u32 v12, $0x9;
	v16 =	vand.u32 $0x7F, v12;
	v17 =	vand.u32 $0x180, v10;
	v34 =	vld.idx.msk [tilespmem:v23+s31+$0x0], $0xffff  }
0x170: {  	p0 =	slt.s32 s17, s13;
	v21 =	vsub.f32 v21, v18;
	v18 =	vcvt.s32.f32 v15;
	v15 =	vcvt.s32.f32 v27  }
.Ltmp21:
0x171: {  	v35 =	vcvt.s32.f32 v26;
	v26 =	vcvt.s32.f32 v30;
	v23 =	vand.u32 $0x180, v12;
	(pc) =	sbr.rel @p0 .LBB2_22-.Ltmp21, $4  }
0x172: {  	v19 =	vand.u32 $0x3FFF, v19;
	v21 =	vmul.f32 v21, v21;
	v25 =	vsub.f32 v31, v25  }
0x173: {  	v27 =	vand.u32 $0x3FFF, v32;
	v28 =	vadd.s32 v4, v23;
	v23 =	vand.u32 $0x3FFF, v33  }
0x174: {  	v32 =	vmul.f32 v35, v21;
	v30 =	vmul.f32 v25, v25;
	v31 =	vsub.f32 v20, v22  }
0x175: {  	s18 =	sadd.s32 $0x40, s18;
	v23 =	vor.u32 v3, v23;
	v25 =	vor.u32 v3, v19;
	v29 =	vsub.f32 v34, v29  }
0x176: {  	v19 =	vmovc v9;
	v20 =	vmov v11;
	v22 =	vmov v12;
	v21 =	vmov v10  }
.LBB2_24:
0x177: {  	_ = 	snop  }
0x178: {  	v9 =	vor.u32 v16, v28  }
0x179: {  	v10 =	vadd.s32 v4, v17;
	v11 =	vor.u32 v3, v27  }
0x17a: {  	v8 =	vand.u32 $0x3FFF, v8;
	v10 =	vor.u32 v14, v10  }
0x17b: {  	v12 =	vadd.f32 @p6 v32, v24;
	v13 =	vadd.s32 v4, v13;
	v54 =	vld.idx.msk [tilespmem:v25+s6+$0x0], $0xffff;
	v8 =	vor.u32 v3, v8  }
0x17c: {  	v55 =	vld.idx.msk [tilespmem:v23+s6+$0x0], $0xffff;
	v7 =	vadd.s32 v4, v7;
	v56 =	vand.u32 $0x7F, v19;
	v6 =	vor.u32 v6, v13  }
0x17d: {  	v17 =	vmul.f32 @p6 v26, v30;
	v23 =	vmul.f32 @p6 v31, v31;
	v7 =	vor.u32 v56, v7;
	v9 =	vld.idx.msk [tilespmem:v9+s31+$0x0], $0xffff  }
0x17e: {  	v11 =	vld.idx.msk [tilespmem:v11+s6+$0x0], $0xffff  }
0x17f: {  	v12 =	vadd.f32 @p6 v17, v12;
	v13 =	vmul.f32 @p6 v18, v23;
	v17 =	vmul.f32 @p6 v29, v29;
	v10 =	vld.idx.msk [tilespmem:v10+s31+$0x0], $0xffff  }
0x180: {  	v8 =	vld.idx.msk [tilespmem:v8+s6+$0x0], $0xffff  }
0x181: {  	v12 =	vadd.f32 @p6 v13, v12;
	v13 =	vmul.f32 @p6 v15, v17;
	v6 =	vld.idx.msk [tilespmem:v6+s31+$0x0], $0xffff  }
0x182: {  	v7 =	vld.idx.msk [tilespmem:v7+s31+$0x0], $0xffff;
	v9 =	vsub.f32 v9, v55  }
0x183: {  	v57 =	vshra.s32 v22, $0x19;
	v58 =	vshra.s32 v21, $0x19;
	v12 =	vadd.f32 @p6 v13, v12  }
0x184: {  	v13 =	vcvt.s32.f32 v57;
	v10 =	vsub.f32 v10, v11;
	v9 =	vmul.f32 v9, v9  }
0x185: {  	v59 =	vshra.s32 v20, $0x19;
	v60 =	vshra.s32 v19, $0x19;
	v15 =	vcvt.s32.f32 v58  }
0x186: {  	v6 =	vsub.f32 v6, v8;
	v10 =	vmul.f32 v10, v10;
	v9 =	vmul.f32 v13, v9  }
0x187: {  	v61 =	vcvt.s32.f32 v59;
	v5 =	vpsel p6, v12, v5;
	v7 =	vsub.f32 v7, v54  }
0x188: {  	v6 =	vmul.f32 v6, v6;
	v62 =	vmul.f32 v15, v10;
	v5 =	vadd.f32 v9, v5  }
0x189: {  	v63 =	vcvt.s32.f32 v60  }
0x18a: {  	v7 =	vmul.f32 v7, v7;
	v6 =	vmul.f32 v61, v6;
	v5 =	vadd.f32 v62, v5;
	_ =	sdelay $0x1  }
0x18b: {  	v5 =	vadd.f32 v6, v5;
	v6 =	vmul.f32 v63, v7;
	_ =	sdelay $0x1  }
0x18c: {  	v5 =	vadd.f32 v6, v5  }
.LBB2_25:
.Ltmp22:
0x18d: {  	(pc) =	sbr.rel @p5 .LBB2_27-.Ltmp22, $2  }
0x18e: {  	_ =	sdelay $0x2  }
0x18f: {  	s17 =	smov.u32 s16;
	s18 =	smov.u32 s13  }
.LBB2_26:
0x190: {  	v6 =	vld [tilespmem:s17+$0x0];
	_ =	sdelay $0x4  }
0x191: {  	v7 =	vshrl.u32 v6, $0x9  }
0x192: {  	v8 =	vand.u32 $0x180, v6;
	v7 =	vand.u32 $0x3FFF, v7  }
0x193: {  	v9 =	vand.u32 $0x7F, v6;
	v8 =	vadd.s32 v4, v8;
	v7 =	vor.u32 v3, v7  }
0x194: {  	v8 =	vor.u32 v9, v8;
	_ =	sdelay $0x3  }
0x195: {  	v7 =	vld.idx.msk [tilespmem:v7+s6+$0x0], $0xffff  }
0x196: {  	v8 =	vld.idx.msk [tilespmem:v8+s31+$0x0], $0xffff;
	_ =	sdelay $0x4  }
0x197: {  	s18 =	sadd.s32 $0x10, s18;
	v7 =	vsub.f32 v8, v7  }
0x198: {  	p0 =	slt.s32 s18, s11;
	v6 =	vshra.s32 v6, $0x19  }
.Ltmp23:
0x199: {  	v6 =	vcvt.s32.f32 v6;
	v7 =	vmul.f32 v7, v7;
	(pc) =	sbr.rel @p0 .LBB2_26-.Ltmp23, $3  }
0x19a: {  	_ = 	snop  }
0x19b: {  	v6 =	vmul.f32 v6, v7;
	_ =	sdelay $0x1  }
0x19c: {  	s17 =	sadd.s32 $0x10, s17;
	v5 =	vadd.f32 v6, v5  }
.Ltmp24:
0x19d: {  	_ = 	snop;
	(pc) =	sbr.rel .LBB2_27-.Ltmp24, $1  }
0x19e: {  	_ =	sdelay $0x3  }
.LBB2_19:
.Ltmp25:
0x19f: {  	(pc) =	sbr.rel .LBB2_24-.Ltmp25, $2  }
0x1a0: {  	_ =	sdelay $0x2  }
0x1a1: {  	v24 =	vimm.f32 $0.0e+00  }
.LBB2_21:
.Ltmp26:
0x1a2: {  	(pc) =	sbr.rel .LBB2_24-.Ltmp26, $2  }
0x1a3: {  	_ =	sdelay $0x2  }
0x1a4: {  	v24 =	vimm.f32 $0.0e+00;
	v19 =	vmovc v9;
	v20 =	vmovc v11;
	v22 =	vmov v12;
	v21 =	vmov v10  }
.LBB2_29:
0x1a5: {  	s5 =	rddreg [dreg:$0x4];
	s9 =	simm.s32 $0xE280  }
0x1a6: {  	[tilespmem:s9], [sflag:$0x3] =	stream.linear.gather [spmem:s5], $0x100, $0x38;
	[tilespmem:$0xE6E0] =	vst v63  }
0x1a7: {  	_ =	swait.ge [sflag:s2], $0x100  }
0x1a8: {  	[sflag:s2] =	ssyncset.done $0x0  }
0x1a9: {  	[sflag:s2] =	ssyncadd.s32 $0xFFFFFF00  }
0x1aa: {  	s20 =	simm.s32 $0xE380;
	s18 =	rddreg [dreg:$0x3]  }
0x1ab: {  	[tilespmem:s20], [sflag:$0x3] =	stream.linear.gather [spmem:s18], $0x100, $0x38;
	[tilespmem:$0xE6E0] =	vst v63  }
0x1ac: {  	_ =	swait.ge [sflag:s2], $0x100  }
0x1ad: {  	[sflag:s2] =	ssyncset.done $0x0  }
0x1ae: {  	[sflag:s2] =	ssyncadd.s32 $0xFFFFFF00  }
0x1af: {  	v2 =	vld [tilespmem:$0xE280];
	_ =	sdelay $0x1  }
0x1b0: {  	v3 =	vld [tilespmem:$0xE290];
	_ =	sdelay $0x1  }
0x1b1: {  	v4 =	vld [tilespmem:$0xE2A0]  }
0x1b2: {  	v5 =	vld [tilespmem:$0xE380];
	v2 =	vadd.f32 $0.0e+00, v2  }
0x1b3: {  	v6 =	vld [tilespmem:$0xE2B0]  }
0x1b4: {  	v2 =	vadd.f32 v3, v2;
	v3 =	vld [tilespmem:$0xE390]  }
0x1b5: {  	v7 =	vld [tilespmem:$0xE2C0]  }
0x1b6: {  	v2 =	vadd.f32 v4, v2;
	v4 =	vld [tilespmem:$0xE3A0]  }
0x1b7: {  	v8 =	vld [tilespmem:$0xE2D0];
	v5 =	vadd.f32 @!p1 $0.0e+00, v5  }
0x1b8: {  	v2 =	vadd.f32 v6, v2;
	v6 =	vld [tilespmem:$0xE3B0]  }
0x1b9: {  	v9 =	vld [tilespmem:$0xE2E0];
	v3 =	vadd.f32 @!p1 v3, v5  }
0x1ba: {  	v5 =	vld [tilespmem:$0xE3C0];
	v2 =	vadd.f32 v7, v2  }
0x1bb: {  	v55 =	vld [tilespmem:$0xE2F0];
	v3 =	vadd.f32 @!p1 v4, v3  }
0x1bc: {  	v4 =	vld [tilespmem:$0xE3D0];
	v2 =	vadd.f32 v8, v2  }
0x1bd: {  	v56 =	vld [tilespmem:$0xE300];
	v3 =	vadd.f32 @!p1 v6, v3  }
0x1be: {  	v6 =	vld [tilespmem:$0xE3E0];
	v2 =	vadd.f32 v9, v2  }
0x1bf: {  	v57 =	vld [tilespmem:$0xE310];
	v3 =	vadd.f32 @!p1 v5, v3  }
0x1c0: {  	v5 =	vld [tilespmem:$0xE3F0];
	v2 =	vadd.f32 v55, v2  }
0x1c1: {  	v58 =	vld [tilespmem:$0xE320];
	v3 =	vadd.f32 @!p1 v4, v3  }
0x1c2: {  	v4 =	vld [tilespmem:$0xE400];
	v2 =	vadd.f32 v56, v2  }
0x1c3: {  	v59 =	vld [tilespmem:$0xE330];
	v3 =	vadd.f32 @!p1 v6, v3  }
0x1c4: {  	v6 =	vld [tilespmem:$0xE410];
	v2 =	vadd.f32 v57, v2  }
0x1c5: {  	v60 =	vld [tilespmem:$0xE340];
	v3 =	vadd.f32 @!p1 v5, v3  }
0x1c6: {  	v5 =	vld [tilespmem:$0xE420];
	v2 =	vadd.f32 v58, v2  }
0x1c7: {  	v61 =	vld [tilespmem:$0xE350];
	v3 =	vadd.f32 @!p1 v4, v3  }
0x1c8: {  	v4 =	vld [tilespmem:$0xE430];
	v2 =	vadd.f32 v59, v2  }
0x1c9: {  	v62 =	vld [tilespmem:$0xE360];
	v3 =	vadd.f32 @!p1 v6, v3  }
0x1ca: {  	v6 =	vld [tilespmem:$0xE440];
	v2 =	vadd.f32 v60, v2  }
0x1cb: {  	v63 =	vld [tilespmem:$0xE370];
	v3 =	vadd.f32 @!p1 v5, v3  }
0x1cc: {  	v5 =	vld [tilespmem:$0xE450];
	v2 =	vadd.f32 v61, v2  }
0x1cd: {  	v3 =	vadd.f32 @!p1 v4, v3  }
0x1ce: {  	v4 =	vld [tilespmem:$0xE460];
	v2 =	vadd.f32 v62, v2  }
0x1cf: {  	v3 =	vadd.f32 @!p1 v6, v3  }
0x1d0: {  	v6 =	vld [tilespmem:$0xE470];
	v2 =	vadd.f32 v63, v2  }
0x1d1: {  	v3 =	vadd.f32 @!p1 v5, v3  }
0x1d2: {  	s21 =	rddreg [dreg:$0x11];
	[tilespmem:$0xE200] =	vst v2  }
0x1d3: {  	[hbm4b:s21+s6] =	stream.linear.scatter [tilespmem:s3], [sflag:$0x3], $0x10, $0x38;
	v2 =	vadd.f32 @!p1 v4, v3;
	[tilespmem:$0xE6E0] =	vst v63  }
0x1d4: {  	_ =	swait.ge [sflag:s2], $0x10  }
0x1d5: {  	[sflag:s2] =	ssyncset.done $0x0;
	v2 =	vadd.f32 @!p1 v6, v2  }
0x1d6: {  	[sflag:s2] =	ssyncadd.s32 $0xFFFFFFF0  }
0x1d7: {  	s5 =	simm.s32 @!p1 $0x0;
	s9 =	simm.s32 @!p1 $0xE200;
	s10 =	rddreg [dreg:$0x12];
	[tilespmem:$0xE200] =	vst @!p1 v2  }
0x1d8: {  	[hbm4b:s10+s5] =	stream.linear.scatter @!p1 [tilespmem:s9], [sflag:$0x3], $0x10, $0x38;
	[tilespmem:$0xE6E0] =	vst v63  }
.Ltmp27:
0x1d9: {  	_ = 	snop;
	(pc) =	sbr.rel .LBB2_30-.Ltmp27, $4  }
0x1da: {  	s5 =	simm.s32 @!p1 $0x3  }
0x1db: {  	_ =	swait.ge @!p1 [sflag:s5], $0x10  }
0x1dc: {  	[sflag:s5] =	ssyncset.done @!p1 $0x0  }
0x1dd: {  	[sflag:s5] =	ssyncadd.s32 @!p1 $0xFFFFFFF0  }
.LBB2_31:
0x1de: {  	_ =	sfence.sel $0x180000  }
0x1df: {  	[bflag:$0x0] =	sbarrier.arrive $0xFFFF  }
0x1e0: {  	_ =	strace $0x90000047  }
0x1e1: {  	[bflag:$0x2] =	sbarrier.arrive $0xFFFF  }
0x1e2: {  	s0 =	rddreg [dreg:$0x5]  }
0x1e3: {  	s0 =	sadd.s32 @!p2 $0x100000, s0  }
0x1e4: {  	[sflag:s0] =	ssyncadd.tile.s32 @!p2 $0x1;
	_ =	shalt  }
.Lfunc_end2:
_tile_overlayer_lowered:
.L_overlay_start_2:
0x1e5: {  	(tag) =	ssettag $0x2  }
0x1e6: {  	s0 =	rddreg [dreg:$0x0];
	s2 =	stileid.u32  }
0x1e7: {  	s1 =	rddreg [dreg:$0x1];
	p0 =	sne.s32 s2, $0x0  }
0x1e8: {  	s3 =	rddreg [dreg:$0x2];
	[bflag:$0x3] =	sbarrier.arrive $0xFFFF;
	s2 =	simm.s32 @!p0 $0x1C03  }
0x1e9: {  	[timem:s3], [sflag:s2] =	dma.local @!p0 [hbm:s0], s1  }
0x1ea: {  	s0 =	simm.s32 @!p0 $0x3  }
0x1eb: {  	_ =	swait.ge @!p0 [sflag:s0], s1  }
0x1ec: {  	s1 =	ssub.s32 @!p0 $0x0, s1;
	[sflag:s0] =	ssyncset.done @!p0 $0x0  }
0x1ed: {  	[sflag:s0] =	ssyncadd.s32 @!p0 s1  }
0x1ee: {  	[bflag:$0x3] =	sbarrier.arrive $0xFFFF  }
0x1ef: {  	_ =	shalt  }

</sc_bundles>
